<compile_context>
chip_gen: v7x
topology: tpu7x:2x2x1
jax: 0.10.2.dev20260603
libtpu: 0.0.44.dev20260713+nightly
codegen_flags: <defaults>
</compile_context>

<pallas_src>
import jax
import jax.numpy as jnp
from jax import lax
from jax.experimental import pallas as pl
from jax.experimental.pallas import tpu as pltpu
from jax.experimental.pallas import tpu_sc as plsc

N_NODES = 10000
N_EDGES = 160000
D_IN = 256
D_OUT = 256
DH = 128

NC = 2
NS = 16
CHUNK = 125
NCHUNK = N_EDGES // NS // CHUNK
IDXBLK = NCHUNK // 2
N_PAD = 10240
ROWS_PER_TILE = N_PAD // NS
MM_BM = 2000


def _sc_agg_body(xa, xb, src2d, dst2d, zrows, out,
                 src_v, dst_v, rows0, rows1, h_sh, sem0, sem1, semz):
    c = lax.axis_index("c")
    s = lax.axis_index("s")

    za = pltpu.async_copy(
        zrows, h_sh.at[pl.ds(s * ROWS_PER_TILE, ROWS_PER_TILE)], semz)
    base0 = s * NCHUNK
    sa = pltpu.async_copy(src2d.at[pl.ds(base0, IDXBLK)], src_v, sem0)
    da = pltpu.async_copy(dst2d.at[pl.ds(base0, IDXBLK)], dst_v, sem1)
    sa.wait()
    da.wait()

    bufs = (rows0, rows1)
    sems = (sem0, sem1)

    def run(xh):
        def do_half(hb, staged):
            if not staged:
                base = s * NCHUNK + hb * IDXBLK
                pltpu.sync_copy(src2d.at[pl.ds(base, IDXBLK)], src_v)
                pltpu.sync_copy(dst2d.at[pl.ds(base, IDXBLK)], dst_v)
            pltpu.async_copy(xh.at[src_v.at[0]], rows0, sem0)
            pltpu.async_copy(xh.at[src_v.at[1]], rows1, sem1)
            if staged:
                za.wait()
                plsc.subcore_barrier()

            def pair(i, carry):
                for t in range(2):
                    j = 2 * i + t
                    buf, sem = bufs[t], sems[t]
                    pltpu.make_async_copy(xh.at[src_v.at[j]], buf,
                                          sem).wait()
                    pltpu.sync_copy(buf, h_sh.at[dst_v.at[j]], add=True)
                    nj = j + 2

                    @pl.when(nj < IDXBLK)
                    def _():
                        pltpu.async_copy(xh.at[src_v.at[nj]], buf, sem)
                return carry

            lax.fori_loop(0, IDXBLK // 2, pair, 0)

        do_half(0, staged=True)
        do_half(1, staged=False)

    @pl.when(c == 0)
    def _():
        run(xa)

    @pl.when(c == 1)
    def _():
        run(xb)

    plsc.subcore_barrier()
    pltpu.sync_copy(h_sh.at[pl.ds(s * ROWS_PER_TILE, ROWS_PER_TILE)],
                    out.at[c, pl.ds(s * ROWS_PER_TILE, ROWS_PER_TILE)])


_sc_agg = pl.kernel(
    _sc_agg_body,
    out_type=jax.ShapeDtypeStruct((NC, N_PAD, DH), jnp.float32),
    mesh=plsc.VectorSubcoreMesh(core_axis_name="c", subcore_axis_name="s"),
    scratch_types=[
        pltpu.VMEM((IDXBLK, CHUNK), jnp.int32),
        pltpu.VMEM((IDXBLK, CHUNK), jnp.int32),
        pltpu.VMEM((CHUNK, DH), jnp.float32),
        pltpu.VMEM((CHUNK, DH), jnp.float32),
        pltpu.VMEM_SHARED((N_PAD, DH), jnp.float32),
        pltpu.SemaphoreType.DMA,
        pltpu.SemaphoreType.DMA,
        pltpu.SemaphoreType.DMA,
    ],
)


def _mm_body(h_ref, w_ref, b_ref, o_ref):
    h = h_ref[...]
    w = w_ref[...]
    dn = (((1,), (1,)), ((), ()))
    acc = lax.dot_general(h[0], w[:, :DH], dn,
                          preferred_element_type=jnp.float32)
    acc += lax.dot_general(h[1], w[:, DH:], dn,
                           preferred_element_type=jnp.float32)
    o_ref[...] = acc + b_ref[...]


def _matmul(h, W, b2):
    return pl.pallas_call(
        _mm_body,
        grid=(N_NODES // MM_BM,),
        in_specs=[
            pl.BlockSpec((NC, MM_BM, DH), lambda i: (0, i, 0)),
            pl.BlockSpec((D_OUT, D_IN), lambda i: (0, 0)),
            pl.BlockSpec((1, D_OUT), lambda i: (0, 0)),
        ],
        out_specs=pl.BlockSpec((MM_BM, D_OUT), lambda i: (i, 0)),
        out_shape=jax.ShapeDtypeStruct((N_NODES, D_OUT), jnp.float32),
    )(h, W, b2)


def kernel(x, edge_index, W, b):
    src = edge_index[0].astype(jnp.int32)
    dst = edge_index[1].astype(jnp.int32)
    xa = x[:, :DH]
    xb = x[:, DH:]
    src2d = src.reshape(NS * NCHUNK, CHUNK)
    dst2d = dst.reshape(NS * NCHUNK, CHUNK)
    zrows = jnp.zeros((ROWS_PER_TILE, DH), jnp.float32)
    h = _sc_agg(xa, xb, src2d, dst2d, zrows)
    return _matmul(h, W, b.reshape(1, D_OUT))

# --- scband reference (transcript-rebuilt; emitter-appended) ---
"""Pipeline reference for scband-gcnlayer2-17703855194470 (READ-ONLY COPY).

The authoritative reference and input builder live on the scoring server;
editing this copy changes nothing except your own understanding.
"""

import jax, jax.numpy as jnp
import numpy as np

N_NODES = 10000
N_EDGES = 160000
D_IN = 256
D_OUT = 256


def setup_inputs(seed: int = 0) -> dict:
    key = jax.random.key(seed)
    k1, k2, k3, k4 = jax.random.split(key, 4)
    x = jax.random.normal(k1, (N_NODES, D_IN), dtype=jnp.float32)
    edge_index = jax.random.randint(k2, (2, N_EDGES), 0, N_NODES, dtype=jnp.int64)
    # nn.Linear(in_feats, out_feats): weight [out, in], bias [out]
    bound = 1.0 / np.sqrt(D_IN)
    W = jax.random.uniform(k3, (D_OUT, D_IN), minval=-bound, maxval=bound, dtype=jnp.float32)
    b = jax.random.uniform(k4, (D_OUT,), minval=-bound, maxval=bound, dtype=jnp.float32)
    return {"x": x, "edge_index": edge_index, "W": W, "b": b}


def reference(x, edge_index, W, b):
    # DGL update_all(copy_src('x','m'), sum('m','h')):
    # for each edge (src, dst): message = x[src]; h[dst] = sum of messages
    src = edge_index[0]
    dst = edge_index[1]
    msgs = jnp.take(x, src, axis=0)                      # gather [E, D_IN]
    h = jax.ops.segment_sum(msgs, dst, num_segments=N_NODES)  # scatter-add [N, D_IN]
    # linear layer
    out = h @ W.T + b
    return out

if __name__ == "__main__":
    import jax
    _d = setup_inputs()
    print(jax.jit(kernel)(*tuple(_d.values())))

</pallas_src>

<mosaic_0001>
#map = affine_map<(d0, d1) -> (0, 0)>
#map1 = affine_map<(d0, d1) -> (0, 0, 0)>
module attributes {stable_mosaic.version = 14 : i64} {
  func.func @_sc_agg_body(%arg0: i32, %arg1: i32, %arg2: memref<10000x128xf32, #tpu.memory_space<hbm>>, %arg3: memref<10000x128xf32, #tpu.memory_space<hbm>>, %arg4: memref<1280x125xi32, #tpu.memory_space<hbm>>, %arg5: memref<1280x125xi32, #tpu.memory_space<hbm>>, %arg6: memref<640x128xf32, #tpu.memory_space<hbm>>, %arg7: memref<2x10240x128xf32, #tpu.memory_space<hbm>>, %arg8: memref<40x125xi32, #tpu.memory_space<vmem>>, %arg9: memref<40x125xi32, #tpu.memory_space<vmem>>, %arg10: memref<125x128xf32, #tpu.memory_space<vmem>>, %arg11: memref<125x128xf32, #tpu.memory_space<vmem>>, %arg12: memref<10240x128xf32, #tpu.memory_space<vmem_shared>>, %arg13: memref<!tpu.dma_semaphore, #tpu.memory_space<semaphore_mem>>, %arg14: memref<!tpu.dma_semaphore, #tpu.memory_space<semaphore_mem>>, %arg15: memref<!tpu.dma_semaphore, #tpu.memory_space<semaphore_mem>>) attributes {dimension_semantics = [#tpu.dimension_semantics<core_parallel>, #tpu.dimension_semantics<subcore_parallel>], iteration_bounds = array<i64: 2, 16>, scalar_prefetch = 0 : i64, scratch_operands = 8 : i64, tpu.core_type = #tpu.core_type<sc_vector_subcore>, window_params = [{transform_indices = #map}, {transform_indices = #map}, {transform_indices = #map}, {transform_indices = #map}, {transform_indices = #map}, {transform_indices = #map1}]} {
    %mul3A = arith.constant 640 : i32
    %mul3A_0 = arith.muli %arg1, %mul3A : i32
    %dma_start3A = arith.constant 0 : i32
    %dma_start3A_1 = tpu.memref_slice %arg12[%mul3A_0, %dma_start3A] : memref<10240x128xf32, #tpu.memory_space<vmem_shared>> -> memref<640x128xf32, #tpu.memory_space<vmem_shared>>
    tpu.enqueue_dma source(%arg6 : memref<640x128xf32, #tpu.memory_space<hbm>>) target(%dma_start3A_1 : memref<640x128xf32, #tpu.memory_space<vmem_shared>>) target_semaphore(%arg15 : memref<!tpu.dma_semaphore, #tpu.memory_space<semaphore_mem>>)
    %mul3A_2 = arith.constant 80 : i32
    %mul3A_3 = arith.muli %arg1, %mul3A_2 : i32
    %dma_start3A_4 = arith.constant 0 : i32
    %dma_start3A_5 = tpu.memref_slice %arg4[%mul3A_3, %dma_start3A_4] : memref<1280x125xi32, #tpu.memory_space<hbm>> -> memref<40x125xi32, #tpu.memory_space<hbm>>
    %dma_start3A_6 = arith.constant 0 : i32
    %dma_start3A_7 = tpu.memref_slice %arg4[%mul3A_3, %dma_start3A_6] : memref<1280x125xi32, #tpu.memory_space<hbm>> -> memref<40x125xi32, #tpu.memory_space<hbm>>
    tpu.enqueue_dma source(%dma_start3A_7 : memref<40x125xi32, #tpu.memory_space<hbm>>) target(%arg8 : memref<40x125xi32, #tpu.memory_space<vmem>>) target_semaphore(%arg13 : memref<!tpu.dma_semaphore, #tpu.memory_space<semaphore_mem>>)
    %dma_start3A_8 = arith.constant 0 : i32
    %dma_start3A_9 = tpu.memref_slice %arg5[%mul3A_3, %dma_start3A_8] : memref<1280x125xi32, #tpu.memory_space<hbm>> -> memref<40x125xi32, #tpu.memory_space<hbm>>
    %dma_start3A_10 = arith.constant 0 : i32
    %dma_start3A_11 = tpu.memref_slice %arg5[%mul3A_3, %dma_start3A_10] : memref<1280x125xi32, #tpu.memory_space<hbm>> -> memref<40x125xi32, #tpu.memory_space<hbm>>
    tpu.enqueue_dma source(%dma_start3A_11 : memref<40x125xi32, #tpu.memory_space<hbm>>) target(%arg9 : memref<40x125xi32, #tpu.memory_space<vmem>>) target_semaphore(%arg14 : memref<!tpu.dma_semaphore, #tpu.memory_space<semaphore_mem>>)
    %dma_wait3A = arith.constant 0 : i32
    %dma_wait3A_12 = tpu.memref_slice %arg4[%mul3A_3, %dma_wait3A] : memref<1280x125xi32, #tpu.memory_space<hbm>> -> memref<40x125xi32, #tpu.memory_space<hbm>>
    %dma_wait3A_13 = arith.constant 0 : i32
    %dma_wait3A_14 = tpu.memref_slice %arg4[%mul3A_3, %dma_wait3A_13] : memref<1280x125xi32, #tpu.memory_space<hbm>> -> memref<40x125xi32, #tpu.memory_space<hbm>>
    tpu.wait_dma2 semaphore(%arg13 : memref<!tpu.dma_semaphore, #tpu.memory_space<semaphore_mem>>) src(%dma_wait3A_14 : memref<40x125xi32, #tpu.memory_space<hbm>>) dst(%arg8 : memref<40x125xi32, #tpu.memory_space<vmem>>)
    %dma_wait3A_15 = arith.constant 0 : i32
    %dma_wait3A_16 = tpu.memref_slice %arg5[%mul3A_3, %dma_wait3A_15] : memref<1280x125xi32, #tpu.memory_space<hbm>> -> memref<40x125xi32, #tpu.memory_space<hbm>>
    %dma_wait3A_17 = arith.constant 0 : i32
    %dma_wait3A_18 = tpu.memref_slice %arg5[%mul3A_3, %dma_wait3A_17] : memref<1280x125xi32, #tpu.memory_space<hbm>> -> memref<40x125xi32, #tpu.memory_space<hbm>>
    tpu.wait_dma2 semaphore(%arg14 : memref<!tpu.dma_semaphore, #tpu.memory_space<semaphore_mem>>) src(%dma_wait3A_18 : memref<40x125xi32, #tpu.memory_space<hbm>>) dst(%arg9 : memref<40x125xi32, #tpu.memory_space<vmem>>)
    %eq3A = arith.constant 0 : i32
    %eq3A_19 = arith.cmpi eq, %arg0, %eq3A : i32
    %convert_element_type3A = arith.extui %eq3A_19 : i1 to i32
    %cond3A = arith.constant 0 : i32
    %cond3A_20 = arith.cmpi ne, %convert_element_type3A, %cond3A : i32
    scf.if %cond3A_20 {
      %dma_start3A_30 = arith.constant 0 : i32
      %dma_start3A_31 = arith.constant 0 : i32
      %dma_start3A_32 = tpu.memref_slice %arg8[%dma_start3A_30, %dma_start3A_31] : memref<40x125xi32, #tpu.memory_space<vmem>> -> memref<1x125xi32, #tpu.memory_space<vmem>>
      %dma_start3A_33 = tpu.memref_squeeze %dma_start3A_32 : memref<1x125xi32, #tpu.memory_space<vmem>> -> memref<125xi32, #tpu.memory_space<vmem>>
      %dma_start3A_34 = arith.constant 0 : i32
      %dma_start3A_35 = arith.constant 0 : i32
      %dma_start3A_36 = tpu.memref_slice %arg2[%dma_start3A_34, %dma_start3A_35] : memref<10000x128xf32, #tpu.memory_space<hbm>> -> memref<10000x128xf32, #tpu.memory_space<hbm>>
      tpu.enqueue_indirect_dma source(%dma_start3A_36 : memref<10000x128xf32, #tpu.memory_space<hbm>>) target(%arg10 : memref<125x128xf32, #tpu.memory_space<vmem>>) offsets(%dma_start3A_33 : memref<125xi32, #tpu.memory_space<vmem>>) semaphore(%arg13 : memref<!tpu.dma_semaphore, #tpu.memory_space<semaphore_mem>>)
      %dma_start3A_37 = arith.constant 1 : i32
      %dma_start3A_38 = arith.constant 0 : i32
      %dma_start3A_39 = tpu.memref_slice %arg8[%dma_start3A_37, %dma_start3A_38] : memref<40x125xi32, #tpu.memory_space<vmem>> -> memref<1x125xi32, #tpu.memory_space<vmem>>
      %dma_start3A_40 = tpu.memref_squeeze %dma_start3A_39 : memref<1x125xi32, #tpu.memory_space<vmem>> -> memref<125xi32, #tpu.memory_space<vmem>>
      %dma_start3A_41 = arith.constant 0 : i32
      %dma_start3A_42 = arith.constant 0 : i32
      %dma_start3A_43 = tpu.memref_slice %arg2[%dma_start3A_41, %dma_start3A_42] : memref<10000x128xf32, #tpu.memory_space<hbm>> -> memref<10000x128xf32, #tpu.memory_space<hbm>>
      tpu.enqueue_indirect_dma source(%dma_start3A_43 : memref<10000x128xf32, #tpu.memory_space<hbm>>) target(%arg11 : memref<125x128xf32, #tpu.memory_space<vmem>>) offsets(%dma_start3A_40 : memref<125xi32, #tpu.memory_space<vmem>>) semaphore(%arg14 : memref<!tpu.dma_semaphore, #tpu.memory_space<semaphore_mem>>)
      %dma_wait3A_44 = arith.constant 0 : i32
      %dma_wait3A_45 = tpu.memref_slice %arg12[%mul3A_0, %dma_wait3A_44] : memref<10240x128xf32, #tpu.memory_space<vmem_shared>> -> memref<640x128xf32, #tpu.memory_space<vmem_shared>>
      tpu.wait_dma2 semaphore(%arg15 : memref<!tpu.dma_semaphore, #tpu.memory_space<semaphore_mem>>) src(%arg6 : memref<640x128xf32, #tpu.memory_space<hbm>>) dst(%dma_wait3A_45 : memref<640x128xf32, #tpu.memory_space<vmem_shared>>)
      %barrier3A_46 = arith.constant 0 : index
      tpu.barrier barrier_id(%barrier3A_46)
      %scan3A = arith.constant 0 : i32
      %scan3A_47 = arith.constant 0 : i32
      %scan3A_48 = arith.constant 20 : i32
      %scan3A_49 = arith.addi %scan3A_47, %scan3A_48 : i32
      %scan3A_50 = arith.constant 1 : i32
      scf.for %scan3A_75 = %scan3A_47 to %scan3A_49 step %scan3A_50  : i32 {
        %mul3A_76 = arith.constant 2 : i32
        %mul3A_77 = arith.muli %mul3A_76, %scan3A_75 : i32
        %add3A_78 = arith.constant 0 : i32
        %add3A_79 = arith.addi %mul3A_77, %add3A_78 : i32
        %dma_wait3A_80 = arith.constant 0 : i32
        %dma_wait3A_81 = tpu.memref_slice %arg8[%add3A_79, %dma_wait3A_80] : memref<40x125xi32, #tpu.memory_space<vmem>> -> memref<1x125xi32, #tpu.memory_space<vmem>>
        %dma_wait3A_82 = tpu.memref_squeeze %dma_wait3A_81 : memref<1x125xi32, #tpu.memory_space<vmem>> -> memref<125xi32, #tpu.memory_space<vmem>>
        %dma_wait3A_83 = arith.constant 0 : i32
        %dma_wait3A_84 = arith.constant 0 : i32
        %dma_wait3A_85 = tpu.memref_slice %arg2[%dma_wait3A_83, %dma_wait3A_84] : memref<10000x128xf32, #tpu.memory_space<hbm>> -> memref<10000x128xf32, #tpu.memory_space<hbm>>
        tpu.wait_indirect_dma semaphore(%arg13 : memref<!tpu.dma_semaphore, #tpu.memory_space<semaphore_mem>>) src(%dma_wait3A_85 : memref<10000x128xf32, #tpu.memory_space<hbm>>) dst(%arg10 : memref<125x128xf32, #tpu.memory_space<vmem>>)
        "tpu.region"() ({
          %run_scoped3A = tpu.sem_alloc : memref<!tpu.dma_semaphore, #tpu.memory_space<semaphore_mem>>
          %dma_start3A_109 = arith.constant 0 : i32
          %dma_start3A_110 = tpu.memref_slice %arg9[%add3A_79, %dma_start3A_109] : memref<40x125xi32, #tpu.memory_space<vmem>> -> memref<1x125xi32, #tpu.memory_space<vmem>>
          %dma_start3A_111 = tpu.memref_squeeze %dma_start3A_110 : memref<1x125xi32, #tpu.memory_space<vmem>> -> memref<125xi32, #tpu.memory_space<vmem>>
          %dma_start3A_112 = arith.constant 0 : i32
          %dma_start3A_113 = arith.constant 0 : i32
          %dma_start3A_114 = tpu.memref_slice %arg12[%dma_start3A_112, %dma_start3A_113] : memref<10240x128xf32, #tpu.memory_space<vmem_shared>> -> memref<10240x128xf32, #tpu.memory_space<vmem_shared>>
          tpu.enqueue_indirect_dma source(%arg10 : memref<125x128xf32, #tpu.memory_space<vmem>>) target(%dma_start3A_114 : memref<10240x128xf32, #tpu.memory_space<vmem_shared>>) offsets(%dma_start3A_111 : memref<125xi32, #tpu.memory_space<vmem>>) semaphore(%run_scoped3A : memref<!tpu.dma_semaphore, #tpu.memory_space<semaphore_mem>>) {add = true}
          %dma_wait3A_115 = arith.constant 0 : i32
          %dma_wait3A_116 = tpu.memref_slice %arg9[%add3A_79, %dma_wait3A_115] : memref<40x125xi32, #tpu.memory_space<vmem>> -> memref<1x125xi32, #tpu.memory_space<vmem>>
          %dma_wait3A_117 = tpu.memref_squeeze %dma_wait3A_116 : memref<1x125xi32, #tpu.memory_space<vmem>> -> memref<125xi32, #tpu.memory_space<vmem>>
          %dma_wait3A_118 = arith.constant 0 : i32
          %dma_wait3A_119 = arith.constant 0 : i32
          %dma_wait3A_120 = tpu.memref_slice %arg12[%dma_wait3A_118, %dma_wait3A_119] : memref<10240x128xf32, #tpu.memory_space<vmem_shared>> -> memref<10240x128xf32, #tpu.memory_space<vmem_shared>>
          tpu.wait_indirect_dma semaphore(%run_scoped3A : memref<!tpu.dma_semaphore, #tpu.memory_space<semaphore_mem>>) src(%arg10 : memref<125x128xf32, #tpu.memory_space<vmem>>) dst(%dma_wait3A_120 : memref<10240x128xf32, #tpu.memory_space<vmem_shared>>)
          tpu.yield
        }) : () -> ()
        %add3A_86 = arith.constant 2 : i32
        %add3A_87 = arith.addi %add3A_79, %add3A_86 : i32
        %lt3A = arith.constant 40 : i32
        %lt3A_88 = arith.cmpi slt, %add3A_87, %lt3A : i32
        %convert_element_type3A_89 = arith.extui %lt3A_88 : i1 to i32
        %cond3A_90 = arith.constant 0 : i32
        %cond3A_91 = arith.cmpi ne, %convert_element_type3A_89, %cond3A_90 : i32
        scf.if %cond3A_91 {
          %dma_start3A_109 = arith.constant 0 : i32
          %dma_start3A_110 = tpu.memref_slice %arg8[%add3A_87, %dma_start3A_109] : memref<40x125xi32, #tpu.memory_space<vmem>> -> memref<1x125xi32, #tpu.memory_space<vmem>>
          %dma_start3A_111 = tpu.memref_squeeze %dma_start3A_110 : memref<1x125xi32, #tpu.memory_space<vmem>> -> memref<125xi32, #tpu.memory_space<vmem>>
          %dma_start3A_112 = arith.constant 0 : i32
          %dma_start3A_113 = arith.constant 0 : i32
          %dma_start3A_114 = tpu.memref_slice %arg2[%dma_start3A_112, %dma_start3A_113] : memref<10000x128xf32, #tpu.memory_space<hbm>> -> memref<10000x128xf32, #tpu.memory_space<hbm>>
          tpu.enqueue_indirect_dma source(%dma_start3A_114 : memref<10000x128xf32, #tpu.memory_space<hbm>>) target(%arg10 : memref<125x128xf32, #tpu.memory_space<vmem>>) offsets(%dma_start3A_111 : memref<125xi32, #tpu.memory_space<vmem>>) semaphore(%arg13 : memref<!tpu.dma_semaphore, #tpu.memory_space<semaphore_mem>>)
        } else {
        }
        %mul3A_92 = arith.constant 2 : i32
        %mul3A_93 = arith.muli %mul3A_92, %scan3A_75 : i32
        %add3A_94 = arith.constant 1 : i32
        %add3A_95 = arith.addi %mul3A_93, %add3A_94 : i32
        %dma_wait3A_96 = arith.constant 0 : i32
        %dma_wait3A_97 = tpu.memref_slice %arg8[%add3A_95, %dma_wait3A_96] : memref<40x125xi32, #tpu.memory_space<vmem>> -> memref<1x125xi32, #tpu.memory_space<vmem>>
        %dma_wait3A_98 = tpu.memref_squeeze %dma_wait3A_97 : memref<1x125xi32, #tpu.memory_space<vmem>> -> memref<125xi32, #tpu.memory_space<vmem>>
        %dma_wait3A_99 = arith.constant 0 : i32
        %dma_wait3A_100 = arith.constant 0 : i32
        %dma_wait3A_101 = tpu.memref_slice %arg2[%dma_wait3A_99, %dma_wait3A_100] : memref<10000x128xf32, #tpu.memory_space<hbm>> -> memref<10000x128xf32, #tpu.memory_space<hbm>>
        tpu.wait_indirect_dma semaphore(%arg14 : memref<!tpu.dma_semaphore, #tpu.memory_space<semaphore_mem>>) src(%dma_wait3A_101 : memref<10000x128xf32, #tpu.memory_space<hbm>>) dst(%arg11 : memref<125x128xf32, #tpu.memory_space<vmem>>)
        "tpu.region"() ({
          %run_scoped3A = tpu.sem_alloc : memref<!tpu.dma_semaphore, #tpu.memory_space<semaphore_mem>>
          %dma_start3A_109 = arith.constant 0 : i32
          %dma_start3A_110 = tpu.memref_slice %arg9[%add3A_95, %dma_start3A_109] : memref<40x125xi32, #tpu.memory_space<vmem>> -> memref<1x125xi32, #tpu.memory_space<vmem>>
          %dma_start3A_111 = tpu.memref_squeeze %dma_start3A_110 : memref<1x125xi32, #tpu.memory_space<vmem>> -> memref<125xi32, #tpu.memory_space<vmem>>
          %dma_start3A_112 = arith.constant 0 : i32
          %dma_start3A_113 = arith.constant 0 : i32
          %dma_start3A_114 = tpu.memref_slice %arg12[%dma_start3A_112, %dma_start3A_113] : memref<10240x128xf32, #tpu.memory_space<vmem_shared>> -> memref<10240x128xf32, #tpu.memory_space<vmem_shared>>
          tpu.enqueue_indirect_dma source(%arg11 : memref<125x128xf32, #tpu.memory_space<vmem>>) target(%dma_start3A_114 : memref<10240x128xf32, #tpu.memory_space<vmem_shared>>) offsets(%dma_start3A_111 : memref<125xi32, #tpu.memory_space<vmem>>) semaphore(%run_scoped3A : memref<!tpu.dma_semaphore, #tpu.memory_space<semaphore_mem>>) {add = true}
          %dma_wait3A_115 = arith.constant 0 : i32
          %dma_wait3A_116 = tpu.memref_slice %arg9[%add3A_95, %dma_wait3A_115] : memref<40x125xi32, #tpu.memory_space<vmem>> -> memref<1x125xi32, #tpu.memory_space<vmem>>
          %dma_wait3A_117 = tpu.memref_squeeze %dma_wait3A_116 : memref<1x125xi32, #tpu.memory_space<vmem>> -> memref<125xi32, #tpu.memory_space<vmem>>
          %dma_wait3A_118 = arith.constant 0 : i32
          %dma_wait3A_119 = arith.constant 0 : i32
          %dma_wait3A_120 = tpu.memref_slice %arg12[%dma_wait3A_118, %dma_wait3A_119] : memref<10240x128xf32, #tpu.memory_space<vmem_shared>> -> memref<10240x128xf32, #tpu.memory_space<vmem_shared>>
          tpu.wait_indirect_dma semaphore(%run_scoped3A : memref<!tpu.dma_semaphore, #tpu.memory_space<semaphore_mem>>) src(%arg11 : memref<125x128xf32, #tpu.memory_space<vmem>>) dst(%dma_wait3A_120 : memref<10240x128xf32, #tpu.memory_space<vmem_shared>>)
          tpu.yield
        }) : () -> ()
        %add3A_102 = arith.constant 2 : i32
        %add3A_103 = arith.addi %add3A_95, %add3A_102 : i32
        %lt3A_104 = arith.constant 40 : i32
        %lt3A_105 = arith.cmpi slt, %add3A_103, %lt3A_104 : i32
        %convert_element_type3A_106 = arith.extui %lt3A_105 : i1 to i32
        %cond3A_107 = arith.constant 0 : i32
        %cond3A_108 = arith.cmpi ne, %convert_element_type3A_106, %cond3A_107 : i32
        scf.if %cond3A_108 {
          %dma_start3A_109 = arith.constant 0 : i32
          %dma_start3A_110 = tpu.memref_slice %arg8[%add3A_103, %dma_start3A_109] : memref<40x125xi32, #tpu.memory_space<vmem>> -> memref<1x125xi32, #tpu.memory_space<vmem>>
          %dma_start3A_111 = tpu.memref_squeeze %dma_start3A_110 : memref<1x125xi32, #tpu.memory_space<vmem>> -> memref<125xi32, #tpu.memory_space<vmem>>
          %dma_start3A_112 = arith.constant 0 : i32
          %dma_start3A_113 = arith.constant 0 : i32
          %dma_start3A_114 = tpu.memref_slice %arg2[%dma_start3A_112, %dma_start3A_113] : memref<10000x128xf32, #tpu.memory_space<hbm>> -> memref<10000x128xf32, #tpu.memory_space<hbm>>
          tpu.enqueue_indirect_dma source(%dma_start3A_114 : memref<10000x128xf32, #tpu.memory_space<hbm>>) target(%arg11 : memref<125x128xf32, #tpu.memory_space<vmem>>) offsets(%dma_start3A_111 : memref<125xi32, #tpu.memory_space<vmem>>) semaphore(%arg14 : memref<!tpu.dma_semaphore, #tpu.memory_space<semaphore_mem>>)
        } else {
        }
      }
      %scan3A_51 = arith.constant 20 : i32
      %mul3A_52 = arith.constant 80 : i32
      %mul3A_53 = arith.muli %arg1, %mul3A_52 : i32
      %add3A = arith.constant 40 : i32
      %add3A_54 = arith.addi %mul3A_53, %add3A : i32
      "tpu.region"() ({
        %run_scoped3A = tpu.sem_alloc : memref<!tpu.dma_semaphore, #tpu.memory_space<semaphore_mem>>
        %dma_start3A_75 = arith.constant 0 : i32
        %dma_start3A_76 = tpu.memref_slice %arg4[%add3A_54, %dma_start3A_75] : memref<1280x125xi32, #tpu.memory_space<hbm>> -> memref<40x125xi32, #tpu.memory_space<hbm>>
        %dma_start3A_77 = arith.constant 0 : i32
        %dma_start3A_78 = tpu.memref_slice %arg4[%add3A_54, %dma_start3A_77] : memref<1280x125xi32, #tpu.memory_space<hbm>> -> memref<40x125xi32, #tpu.memory_space<hbm>>
        tpu.enqueue_dma source(%dma_start3A_78 : memref<40x125xi32, #tpu.memory_space<hbm>>) target(%arg8 : memref<40x125xi32, #tpu.memory_space<vmem>>) target_semaphore(%run_scoped3A : memref<!tpu.dma_semaphore, #tpu.memory_space<semaphore_mem>>)
        %dma_wait3A_79 = arith.constant 0 : i32
        %dma_wait3A_80 = tpu.memref_slice %arg4[%add3A_54, %dma_wait3A_79] : memref<1280x125xi32, #tpu.memory_space<hbm>> -> memref<40x125xi32, #tpu.memory_space<hbm>>
        %dma_wait3A_81 = arith.constant 0 : i32
        %dma_wait3A_82 = tpu.memref_slice %arg4[%add3A_54, %dma_wait3A_81] : memref<1280x125xi32, #tpu.memory_space<hbm>> -> memref<40x125xi32, #tpu.memory_space<hbm>>
        tpu.wait_dma2 semaphore(%run_scoped3A : memref<!tpu.dma_semaphore, #tpu.memory_space<semaphore_mem>>) src(%dma_wait3A_82 : memref<40x125xi32, #tpu.memory_space<hbm>>) dst(%arg8 : memref<40x125xi32, #tpu.memory_space<vmem>>)
        tpu.yield
      }) : () -> ()
      "tpu.region"() ({
        %run_scoped3A = tpu.sem_alloc : memref<!tpu.dma_semaphore, #tpu.memory_space<semaphore_mem>>
        %dma_start3A_75 = arith.constant 0 : i32
        %dma_start3A_76 = tpu.memref_slice %arg5[%add3A_54, %dma_start3A_75] : memref<1280x125xi32, #tpu.memory_space<hbm>> -> memref<40x125xi32, #tpu.memory_space<hbm>>
        %dma_start3A_77 = arith.constant 0 : i32
        %dma_start3A_78 = tpu.memref_slice %arg5[%add3A_54, %dma_start3A_77] : memref<1280x125xi32, #tpu.memory_space<hbm>> -> memref<40x125xi32, #tpu.memory_space<hbm>>
        tpu.enqueue_dma source(%dma_start3A_78 : memref<40x125xi32, #tpu.memory_space<hbm>>) target(%arg9 : memref<40x125xi32, #tpu.memory_space<vmem>>) target_semaphore(%run_scoped3A : memref<!tpu.dma_semaphore, #tpu.memory_space<semaphore_mem>>)
        %dma_wait3A_79 = arith.constant 0 : i32
        %dma_wait3A_80 = tpu.memref_slice %arg5[%add3A_54, %dma_wait3A_79] : memref<1280x125xi32, #tpu.memory_space<hbm>> -> memref<40x125xi32, #tpu.memory_space<hbm>>
        %dma_wait3A_81 = arith.constant 0 : i32
        %dma_wait3A_82 = tpu.memref_slice %arg5[%add3A_54, %dma_wait3A_81] : memref<1280x125xi32, #tpu.memory_space<hbm>> -> memref<40x125xi32, #tpu.memory_space<hbm>>
        tpu.wait_dma2 semaphore(%run_scoped3A : memref<!tpu.dma_semaphore, #tpu.memory_space<semaphore_mem>>) src(%dma_wait3A_82 : memref<40x125xi32, #tpu.memory_space<hbm>>) dst(%arg9 : memref<40x125xi32, #tpu.memory_space<vmem>>)
        tpu.yield
      }) : () -> ()
      %dma_start3A_55 = arith.constant 0 : i32
      %dma_start3A_56 = arith.constant 0 : i32
      %dma_start3A_57 = tpu.memref_slice %arg8[%dma_start3A_55, %dma_start3A_56] : memref<40x125xi32, #tpu.memory_space<vmem>> -> memref<1x125xi32, #tpu.memory_space<vmem>>
      %dma_start3A_58 = tpu.memref_squeeze %dma_start3A_57 : memref<1x125xi32, #tpu.memory_space<vmem>> -> memref<125xi32, #tpu.memory_space<vmem>>
      %dma_start3A_59 = arith.constant 0 : i32
      %dma_start3A_60 = arith.constant 0 : i32
      %dma_start3A_61 = tpu.memref_slice %arg2[%dma_start3A_59, %dma_start3A_60] : memref<10000x128xf32, #tpu.memory_space<hbm>> -> memref<10000x128xf32, #tpu.memory_space<hbm>>
      tpu.enqueue_indirect_dma source(%dma_start3A_61 : memref<10000x128xf32, #tpu.memory_space<hbm>>) target(%arg10 : memref<125x128xf32, #tpu.memory_space<vmem>>) offsets(%dma_start3A_58 : memref<125xi32, #tpu.memory_space<vmem>>) semaphore(%arg13 : memref<!tpu.dma_semaphore, #tpu.memory_space<semaphore_mem>>)
      %dma_start3A_62 = arith.constant 1 : i32
      %dma_start3A_63 = arith.constant 0 : i32
      %dma_start3A_64 = tpu.memref_slice %arg8[%dma_start3A_62, %dma_start3A_63] : memref<40x125xi32, #tpu.memory_space<vmem>> -> memref<1x125xi32, #tpu.memory_space<vmem>>
      %dma_start3A_65 = tpu.memref_squeeze %dma_start3A_64 : memref<1x125xi32, #tpu.memory_space<vmem>> -> memref<125xi32, #tpu.memory_space<vmem>>
      %dma_start3A_66 = arith.constant 0 : i32
      %dma_start3A_67 = arith.constant 0 : i32
      %dma_start3A_68 = tpu.memref_slice %arg2[%dma_start3A_66, %dma_start3A_67] : memref<10000x128xf32, #tpu.memory_space<hbm>> -> memref<10000x128xf32, #tpu.memory_space<hbm>>
      tpu.enqueue_indirect_dma source(%dma_start3A_68 : memref<10000x128xf32, #tpu.memory_space<hbm>>) target(%arg11 : memref<125x128xf32, #tpu.memory_space<vmem>>) offsets(%dma_start3A_65 : memref<125xi32, #tpu.memory_space<vmem>>) semaphore(%arg14 : memref<!tpu.dma_semaphore, #tpu.memory_space<semaphore_mem>>)
      %scan3A_69 = arith.constant 0 : i32
      %scan3A_70 = arith.constant 0 : i32
      %scan3A_71 = arith.constant 20 : i32
      %scan3A_72 = arith.addi %scan3A_70, %scan3A_71 : i32
      %scan3A_73 = arith.constant 1 : i32
      scf.for %scan3A_75 = %scan3A_70 to %scan3A_72 step %scan3A_73  : i32 {
        %mul3A_76 = arith.constant 2 : i32
        %mul3A_77 = arith.muli %mul3A_76, %scan3A_75 : i32
        %add3A_78 = arith.constant 0 : i32
        %add3A_79 = arith.addi %mul3A_77, %add3A_78 : i32
        %dma_wait3A_80 = arith.constant 0 : i32
        %dma_wait3A_81 = tpu.memref_slice %arg8[%add3A_79, %dma_wait3A_80] : memref<40x125xi32, #tpu.memory_space<vmem>> -> memref<1x125xi32, #tpu.memory_space<vmem>>
        %dma_wait3A_82 = tpu.memref_squeeze %dma_wait3A_81 : memref<1x125xi32, #tpu.memory_space<vmem>> -> memref<125xi32, #tpu.memory_space<vmem>>
        %dma_wait3A_83 = arith.constant 0 : i32
        %dma_wait3A_84 = arith.constant 0 : i32
        %dma_wait3A_85 = tpu.memref_slice %arg2[%dma_wait3A_83, %dma_wait3A_84] : memref<10000x128xf32, #tpu.memory_space<hbm>> -> memref<10000x128xf32, #tpu.memory_space<hbm>>
        tpu.wait_indirect_dma semaphore(%arg13 : memref<!tpu.dma_semaphore, #tpu.memory_space<semaphore_mem>>) src(%dma_wait3A_85 : memref<10000x128xf32, #tpu.memory_space<hbm>>) dst(%arg10 : memref<125x128xf32, #tpu.memory_space<vmem>>)
        "tpu.region"() ({
          %run_scoped3A = tpu.sem_alloc : memref<!tpu.dma_semaphore, #tpu.memory_space<semaphore_mem>>
          %dma_start3A_109 = arith.constant 0 : i32
          %dma_start3A_110 = tpu.memref_slice %arg9[%add3A_79, %dma_start3A_109] : memref<40x125xi32, #tpu.memory_space<vmem>> -> memref<1x125xi32, #tpu.memory_space<vmem>>
          %dma_start3A_111 = tpu.memref_squeeze %dma_start3A_110 : memref<1x125xi32, #tpu.memory_space<vmem>> -> memref<125xi32, #tpu.memory_space<vmem>>
          %dma_start3A_112 = arith.constant 0 : i32
          %dma_start3A_113 = arith.constant 0 : i32
          %dma_start3A_114 = tpu.memref_slice %arg12[%dma_start3A_112, %dma_start3A_113] : memref<10240x128xf32, #tpu.memory_space<vmem_shared>> -> memref<10240x128xf32, #tpu.memory_space<vmem_shared>>
          tpu.enqueue_indirect_dma source(%arg10 : memref<125x128xf32, #tpu.memory_space<vmem>>) target(%dma_start3A_114 : memref<10240x128xf32, #tpu.memory_space<vmem_shared>>) offsets(%dma_start3A_111 : memref<125xi32, #tpu.memory_space<vmem>>) semaphore(%run_scoped3A : memref<!tpu.dma_semaphore, #tpu.memory_space<semaphore_mem>>) {add = true}
          %dma_wait3A_115 = arith.constant 0 : i32
          %dma_wait3A_116 = tpu.memref_slice %arg9[%add3A_79, %dma_wait3A_115] : memref<40x125xi32, #tpu.memory_space<vmem>> -> memref<1x125xi32, #tpu.memory_space<vmem>>
          %dma_wait3A_117 = tpu.memref_squeeze %dma_wait3A_116 : memref<1x125xi32, #tpu.memory_space<vmem>> -> memref<125xi32, #tpu.memory_space<vmem>>
          %dma_wait3A_118 = arith.constant 0 : i32
          %dma_wait3A_119 = arith.constant 0 : i32
          %dma_wait3A_120 = tpu.memref_slice %arg12[%dma_wait3A_118, %dma_wait3A_119] : memref<10240x128xf32, #tpu.memory_space<vmem_shared>> -> memref<10240x128xf32, #tpu.memory_space<vmem_shared>>
          tpu.wait_indirect_dma semaphore(%run_scoped3A : memref<!tpu.dma_semaphore, #tpu.memory_space<semaphore_mem>>) src(%arg10 : memref<125x128xf32, #tpu.memory_space<vmem>>) dst(%dma_wait3A_120 : memref<10240x128xf32, #tpu.memory_space<vmem_shared>>)
          tpu.yield
        }) : () -> ()
        %add3A_86 = arith.constant 2 : i32
        %add3A_87 = arith.addi %add3A_79, %add3A_86 : i32
        %lt3A = arith.constant 40 : i32
        %lt3A_88 = arith.cmpi slt, %add3A_87, %lt3A : i32
        %convert_element_type3A_89 = arith.extui %lt3A_88 : i1 to i32
        %cond3A_90 = arith.constant 0 : i32
        %cond3A_91 = arith.cmpi ne, %convert_element_type3A_89, %cond3A_90 : i32
        scf.if %cond3A_91 {
          %dma_start3A_109 = arith.constant 0 : i32
          %dma_start3A_110 = tpu.memref_slice %arg8[%add3A_87, %dma_start3A_109] : memref<40x125xi32, #tpu.memory_space<vmem>> -> memref<1x125xi32, #tpu.memory_space<vmem>>
          %dma_start3A_111 = tpu.memref_squeeze %dma_start3A_110 : memref<1x125xi32, #tpu.memory_space<vmem>> -> memref<125xi32, #tpu.memory_space<vmem>>
          %dma_start3A_112 = arith.constant 0 : i32
          %dma_start3A_113 = arith.constant 0 : i32
          %dma_start3A_114 = tpu.memref_slice %arg2[%dma_start3A_112, %dma_start3A_113] : memref<10000x128xf32, #tpu.memory_space<hbm>> -> memref<10000x128xf32, #tpu.memory_space<hbm>>
          tpu.enqueue_indirect_dma source(%dma_start3A_114 : memref<10000x128xf32, #tpu.memory_space<hbm>>) target(%arg10 : memref<125x128xf32, #tpu.memory_space<vmem>>) offsets(%dma_start3A_111 : memref<125xi32, #tpu.memory_space<vmem>>) semaphore(%arg13 : memref<!tpu.dma_semaphore, #tpu.memory_space<semaphore_mem>>)
        } else {
        }
        %mul3A_92 = arith.constant 2 : i32
        %mul3A_93 = arith.muli %mul3A_92, %scan3A_75 : i32
        %add3A_94 = arith.constant 1 : i32
        %add3A_95 = arith.addi %mul3A_93, %add3A_94 : i32
        %dma_wait3A_96 = arith.constant 0 : i32
        %dma_wait3A_97 = tpu.memref_slice %arg8[%add3A_95, %dma_wait3A_96] : memref<40x125xi32, #tpu.memory_space<vmem>> -> memref<1x125xi32, #tpu.memory_space<vmem>>
        %dma_wait3A_98 = tpu.memref_squeeze %dma_wait3A_97 : memref<1x125xi32, #tpu.memory_space<vmem>> -> memref<125xi32, #tpu.memory_space<vmem>>
        %dma_wait3A_99 = arith.constant 0 : i32
        %dma_wait3A_100 = arith.constant 0 : i32
        %dma_wait3A_101 = tpu.memref_slice %arg2[%dma_wait3A_99, %dma_wait3A_100] : memref<10000x128xf32, #tpu.memory_space<hbm>> -> memref<10000x128xf32, #tpu.memory_space<hbm>>
        tpu.wait_indirect_dma semaphore(%arg14 : memref<!tpu.dma_semaphore, #tpu.memory_space<semaphore_mem>>) src(%dma_wait3A_101 : memref<10000x128xf32, #tpu.memory_space<hbm>>) dst(%arg11 : memref<125x128xf32, #tpu.memory_space<vmem>>)
        "tpu.region"() ({
          %run_scoped3A = tpu.sem_alloc : memref<!tpu.dma_semaphore, #tpu.memory_space<semaphore_mem>>
          %dma_start3A_109 = arith.constant 0 : i32
          %dma_start3A_110 = tpu.memref_slice %arg9[%add3A_95, %dma_start3A_109] : memref<40x125xi32, #tpu.memory_space<vmem>> -> memref<1x125xi32, #tpu.memory_space<vmem>>
          %dma_start3A_111 = tpu.memref_squeeze %dma_start3A_110 : memref<1x125xi32, #tpu.memory_space<vmem>> -> memref<125xi32, #tpu.memory_space<vmem>>
          %dma_start3A_112 = arith.constant 0 : i32
          %dma_start3A_113 = arith.constant 0 : i32
          %dma_start3A_114 = tpu.memref_slice %arg12[%dma_start3A_112, %dma_start3A_113] : memref<10240x128xf32, #tpu.memory_space<vmem_shared>> -> memref<10240x128xf32, #tpu.memory_space<vmem_shared>>
          tpu.enqueue_indirect_dma source(%arg11 : memref<125x128xf32, #tpu.memory_space<vmem>>) target(%dma_start3A_114 : memref<10240x128xf32, #tpu.memory_space<vmem_shared>>) offsets(%dma_start3A_111 : memref<125xi32, #tpu.memory_space<vmem>>) semaphore(%run_scoped3A : memref<!tpu.dma_semaphore, #tpu.memory_space<semaphore_mem>>) {add = true}
          %dma_wait3A_115 = arith.constant 0 : i32
          %dma_wait3A_116 = tpu.memref_slice %arg9[%add3A_95, %dma_wait3A_115] : memref<40x125xi32, #tpu.memory_space<vmem>> -> memref<1x125xi32, #tpu.memory_space<vmem>>
          %dma_wait3A_117 = tpu.memref_squeeze %dma_wait3A_116 : memref<1x125xi32, #tpu.memory_space<vmem>> -> memref<125xi32, #tpu.memory_space<vmem>>
          %dma_wait3A_118 = arith.constant 0 : i32
          %dma_wait3A_119 = arith.constant 0 : i32
          %dma_wait3A_120 = tpu.memref_slice %arg12[%dma_wait3A_118, %dma_wait3A_119] : memref<10240x128xf32, #tpu.memory_space<vmem_shared>> -> memref<10240x128xf32, #tpu.memory_space<vmem_shared>>
          tpu.wait_indirect_dma semaphore(%run_scoped3A : memref<!tpu.dma_semaphore, #tpu.memory_space<semaphore_mem>>) src(%arg11 : memref<125x128xf32, #tpu.memory_space<vmem>>) dst(%dma_wait3A_120 : memref<10240x128xf32, #tpu.memory_space<vmem_shared>>)
          tpu.yield
        }) : () -> ()
        %add3A_102 = arith.constant 2 : i32
        %add3A_103 = arith.addi %add3A_95, %add3A_102 : i32
        %lt3A_104 = arith.constant 40 : i32
        %lt3A_105 = arith.cmpi slt, %add3A_103, %lt3A_104 : i32
        %convert_element_type3A_106 = arith.extui %lt3A_105 : i1 to i32
        %cond3A_107 = arith.constant 0 : i32
        %cond3A_108 = arith.cmpi ne, %convert_element_type3A_106, %cond3A_107 : i32
        scf.if %cond3A_108 {
          %dma_start3A_109 = arith.constant 0 : i32
          %dma_start3A_110 = tpu.memref_slice %arg8[%add3A_103, %dma_start3A_109] : memref<40x125xi32, #tpu.memory_space<vmem>> -> memref<1x125xi32, #tpu.memory_space<vmem>>
          %dma_start3A_111 = tpu.memref_squeeze %dma_start3A_110 : memref<1x125xi32, #tpu.memory_space<vmem>> -> memref<125xi32, #tpu.memory_space<vmem>>
          %dma_start3A_112 = arith.constant 0 : i32
          %dma_start3A_113 = arith.constant 0 : i32
          %dma_start3A_114 = tpu.memref_slice %arg2[%dma_start3A_112, %dma_start3A_113] : memref<10000x128xf32, #tpu.memory_space<hbm>> -> memref<10000x128xf32, #tpu.memory_space<hbm>>
          tpu.enqueue_indirect_dma source(%dma_start3A_114 : memref<10000x128xf32, #tpu.memory_space<hbm>>) target(%arg11 : memref<125x128xf32, #tpu.memory_space<vmem>>) offsets(%dma_start3A_111 : memref<125xi32, #tpu.memory_space<vmem>>) semaphore(%arg14 : memref<!tpu.dma_semaphore, #tpu.memory_space<semaphore_mem>>)
        } else {
        }
      }
      %scan3A_74 = arith.constant 20 : i32
    } else {
    }
    %eq3A_21 = arith.constant 1 : i32
    %eq3A_22 = arith.cmpi eq, %arg0, %eq3A_21 : i32
    %convert_element_type3A_23 = arith.extui %eq3A_22 : i1 to i32
    %cond3A_24 = arith.constant 0 : i32
    %cond3A_25 = arith.cmpi ne, %convert_element_type3A_23, %cond3A_24 : i32
    scf.if %cond3A_25 {
      %dma_start3A_30 = arith.constant 0 : i32
      %dma_start3A_31 = arith.constant 0 : i32
      %dma_start3A_32 = tpu.memref_slice %arg8[%dma_start3A_30, %dma_start3A_31] : memref<40x125xi32, #tpu.memory_space<vmem>> -> memref<1x125xi32, #tpu.memory_space<vmem>>
      %dma_start3A_33 = tpu.memref_squeeze %dma_start3A_32 : memref<1x125xi32, #tpu.memory_space<vmem>> -> memref<125xi32, #tpu.memory_space<vmem>>
      %dma_start3A_34 = arith.constant 0 : i32
      %dma_start3A_35 = arith.constant 0 : i32
      %dma_start3A_36 = tpu.memref_slice %arg3[%dma_start3A_34, %dma_start3A_35] : memref<10000x128xf32, #tpu.memory_space<hbm>> -> memref<10000x128xf32, #tpu.memory_space<hbm>>
      tpu.enqueue_indirect_dma source(%dma_start3A_36 : memref<10000x128xf32, #tpu.memory_space<hbm>>) target(%arg10 : memref<125x128xf32, #tpu.memory_space<vmem>>) offsets(%dma_start3A_33 : memref<125xi32, #tpu.memory_space<vmem>>) semaphore(%arg13 : memref<!tpu.dma_semaphore, #tpu.memory_space<semaphore_mem>>)
      %dma_start3A_37 = arith.constant 1 : i32
      %dma_start3A_38 = arith.constant 0 : i32
      %dma_start3A_39 = tpu.memref_slice %arg8[%dma_start3A_37, %dma_start3A_38] : memref<40x125xi32, #tpu.memory_space<vmem>> -> memref<1x125xi32, #tpu.memory_space<vmem>>
      %dma_start3A_40 = tpu.memref_squeeze %dma_start3A_39 : memref<1x125xi32, #tpu.memory_space<vmem>> -> memref<125xi32, #tpu.memory_space<vmem>>
      %dma_start3A_41 = arith.constant 0 : i32
      %dma_start3A_42 = arith.constant 0 : i32
      %dma_start3A_43 = tpu.memref_slice %arg3[%dma_start3A_41, %dma_start3A_42] : memref<10000x128xf32, #tpu.memory_space<hbm>> -> memref<10000x128xf32, #tpu.memory_space<hbm>>
      tpu.enqueue_indirect_dma source(%dma_start3A_43 : memref<10000x128xf32, #tpu.memory_space<hbm>>) target(%arg11 : memref<125x128xf32, #tpu.memory_space<vmem>>) offsets(%dma_start3A_40 : memref<125xi32, #tpu.memory_space<vmem>>) semaphore(%arg14 : memref<!tpu.dma_semaphore, #tpu.memory_space<semaphore_mem>>)
      %dma_wait3A_44 = arith.constant 0 : i32
      %dma_wait3A_45 = tpu.memref_slice %arg12[%mul3A_0, %dma_wait3A_44] : memref<10240x128xf32, #tpu.memory_space<vmem_shared>> -> memref<640x128xf32, #tpu.memory_space<vmem_shared>>
      tpu.wait_dma2 semaphore(%arg15 : memref<!tpu.dma_semaphore, #tpu.memory_space<semaphore_mem>>) src(%arg6 : memref<640x128xf32, #tpu.memory_space<hbm>>) dst(%dma_wait3A_45 : memref<640x128xf32, #tpu.memory_space<vmem_shared>>)
      %barrier3A_46 = arith.constant 0 : index
      tpu.barrier barrier_id(%barrier3A_46)
      %scan3A = arith.constant 0 : i32
      %scan3A_47 = arith.constant 0 : i32
      %scan3A_48 = arith.constant 20 : i32
      %scan3A_49 = arith.addi %scan3A_47, %scan3A_48 : i32
      %scan3A_50 = arith.constant 1 : i32
      scf.for %scan3A_75 = %scan3A_47 to %scan3A_49 step %scan3A_50  : i32 {
        %mul3A_76 = arith.constant 2 : i32
        %mul3A_77 = arith.muli %mul3A_76, %scan3A_75 : i32
        %add3A_78 = arith.constant 0 : i32
        %add3A_79 = arith.addi %mul3A_77, %add3A_78 : i32
        %dma_wait3A_80 = arith.constant 0 : i32
        %dma_wait3A_81 = tpu.memref_slice %arg8[%add3A_79, %dma_wait3A_80] : memref<40x125xi32, #tpu.memory_space<vmem>> -> memref<1x125xi32, #tpu.memory_space<vmem>>
        %dma_wait3A_82 = tpu.memref_squeeze %dma_wait3A_81 : memref<1x125xi32, #tpu.memory_space<vmem>> -> memref<125xi32, #tpu.memory_space<vmem>>
        %dma_wait3A_83 = arith.constant 0 : i32
        %dma_wait3A_84 = arith.constant 0 : i32
        %dma_wait3A_85 = tpu.memref_slice %arg3[%dma_wait3A_83, %dma_wait3A_84] : memref<10000x128xf32, #tpu.memory_space<hbm>> -> memref<10000x128xf32, #tpu.memory_space<hbm>>
        tpu.wait_indirect_dma semaphore(%arg13 : memref<!tpu.dma_semaphore, #tpu.memory_space<semaphore_mem>>) src(%dma_wait3A_85 : memref<10000x128xf32, #tpu.memory_space<hbm>>) dst(%arg10 : memref<125x128xf32, #tpu.memory_space<vmem>>)
        "tpu.region"() ({
          %run_scoped3A = tpu.sem_alloc : memref<!tpu.dma_semaphore, #tpu.memory_space<semaphore_mem>>
          %dma_start3A_109 = arith.constant 0 : i32
          %dma_start3A_110 = tpu.memref_slice %arg9[%add3A_79, %dma_start3A_109] : memref<40x125xi32, #tpu.memory_space<vmem>> -> memref<1x125xi32, #tpu.memory_space<vmem>>
          %dma_start3A_111 = tpu.memref_squeeze %dma_start3A_110 : memref<1x125xi32, #tpu.memory_space<vmem>> -> memref<125xi32, #tpu.memory_space<vmem>>
          %dma_start3A_112 = arith.constant 0 : i32
          %dma_start3A_113 = arith.constant 0 : i32
          %dma_start3A_114 = tpu.memref_slice %arg12[%dma_start3A_112, %dma_start3A_113] : memref<10240x128xf32, #tpu.memory_space<vmem_shared>> -> memref<10240x128xf32, #tpu.memory_space<vmem_shared>>
          tpu.enqueue_indirect_dma source(%arg10 : memref<125x128xf32, #tpu.memory_space<vmem>>) target(%dma_start3A_114 : memref<10240x128xf32, #tpu.memory_space<vmem_shared>>) offsets(%dma_start3A_111 : memref<125xi32, #tpu.memory_space<vmem>>) semaphore(%run_scoped3A : memref<!tpu.dma_semaphore, #tpu.memory_space<semaphore_mem>>) {add = true}
          %dma_wait3A_115 = arith.constant 0 : i32
          %dma_wait3A_116 = tpu.memref_slice %arg9[%add3A_79, %dma_wait3A_115] : memref<40x125xi32, #tpu.memory_space<vmem>> -> memref<1x125xi32, #tpu.memory_space<vmem>>
          %dma_wait3A_117 = tpu.memref_squeeze %dma_wait3A_116 : memref<1x125xi32, #tpu.memory_space<vmem>> -> memref<125xi32, #tpu.memory_space<vmem>>
          %dma_wait3A_118 = arith.constant 0 : i32
          %dma_wait3A_119 = arith.constant 0 : i32
          %dma_wait3A_120 = tpu.memref_slice %arg12[%dma_wait3A_118, %dma_wait3A_119] : memref<10240x128xf32, #tpu.memory_space<vmem_shared>> -> memref<10240x128xf32, #tpu.memory_space<vmem_shared>>
          tpu.wait_indirect_dma semaphore(%run_scoped3A : memref<!tpu.dma_semaphore, #tpu.memory_space<semaphore_mem>>) src(%arg10 : memref<125x128xf32, #tpu.memory_space<vmem>>) dst(%dma_wait3A_120 : memref<10240x128xf32, #tpu.memory_space<vmem_shared>>)
          tpu.yield
        }) : () -> ()
        %add3A_86 = arith.constant 2 : i32
        %add3A_87 = arith.addi %add3A_79, %add3A_86 : i32
        %lt3A = arith.constant 40 : i32
        %lt3A_88 = arith.cmpi slt, %add3A_87, %lt3A : i32
        %convert_element_type3A_89 = arith.extui %lt3A_88 : i1 to i32
        %cond3A_90 = arith.constant 0 : i32
        %cond3A_91 = arith.cmpi ne, %convert_element_type3A_89, %cond3A_90 : i32
        scf.if %cond3A_91 {
          %dma_start3A_109 = arith.constant 0 : i32
          %dma_start3A_110 = tpu.memref_slice %arg8[%add3A_87, %dma_start3A_109] : memref<40x125xi32, #tpu.memory_space<vmem>> -> memref<1x125xi32, #tpu.memory_space<vmem>>
          %dma_start3A_111 = tpu.memref_squeeze %dma_start3A_110 : memref<1x125xi32, #tpu.memory_space<vmem>> -> memref<125xi32, #tpu.memory_space<vmem>>
          %dma_start3A_112 = arith.constant 0 : i32
          %dma_start3A_113 = arith.constant 0 : i32
          %dma_start3A_114 = tpu.memref_slice %arg3[%dma_start3A_112, %dma_start3A_113] : memref<10000x128xf32, #tpu.memory_space<hbm>> -> memref<10000x128xf32, #tpu.memory_space<hbm>>
          tpu.enqueue_indirect_dma source(%dma_start3A_114 : memref<10000x128xf32, #tpu.memory_space<hbm>>) target(%arg10 : memref<125x128xf32, #tpu.memory_space<vmem>>) offsets(%dma_start3A_111 : memref<125xi32, #tpu.memory_space<vmem>>) semaphore(%arg13 : memref<!tpu.dma_semaphore, #tpu.memory_space<semaphore_mem>>)
        } else {
        }
        %mul3A_92 = arith.constant 2 : i32
        %mul3A_93 = arith.muli %mul3A_92, %scan3A_75 : i32
        %add3A_94 = arith.constant 1 : i32
        %add3A_95 = arith.addi %mul3A_93, %add3A_94 : i32
        %dma_wait3A_96 = arith.constant 0 : i32
        %dma_wait3A_97 = tpu.memref_slice %arg8[%add3A_95, %dma_wait3A_96] : memref<40x125xi32, #tpu.memory_space<vmem>> -> memref<1x125xi32, #tpu.memory_space<vmem>>
        %dma_wait3A_98 = tpu.memref_squeeze %dma_wait3A_97 : memref<1x125xi32, #tpu.memory_space<vmem>> -> memref<125xi32, #tpu.memory_space<vmem>>
        %dma_wait3A_99 = arith.constant 0 : i32
        %dma_wait3A_100 = arith.constant 0 : i32
        %dma_wait3A_101 = tpu.memref_slice %arg3[%dma_wait3A_99, %dma_wait3A_100] : memref<10000x128xf32, #tpu.memory_space<hbm>> -> memref<10000x128xf32, #tpu.memory_space<hbm>>
        tpu.wait_indirect_dma semaphore(%arg14 : memref<!tpu.dma_semaphore, #tpu.memory_space<semaphore_mem>>) src(%dma_wait3A_101 : memref<10000x128xf32, #tpu.memory_space<hbm>>) dst(%arg11 : memref<125x128xf32, #tpu.memory_space<vmem>>)
        "tpu.region"() ({
          %run_scoped3A = tpu.sem_alloc : memref<!tpu.dma_semaphore, #tpu.memory_space<semaphore_mem>>
          %dma_start3A_109 = arith.constant 0 : i32
          %dma_start3A_110 = tpu.memref_slice %arg9[%add3A_95, %dma_start3A_109] : memref<40x125xi32, #tpu.memory_space<vmem>> -> memref<1x125xi32, #tpu.memory_space<vmem>>
          %dma_start3A_111 = tpu.memref_squeeze %dma_start3A_110 : memref<1x125xi32, #tpu.memory_space<vmem>> -> memref<125xi32, #tpu.memory_space<vmem>>
          %dma_start3A_112 = arith.constant 0 : i32
          %dma_start3A_113 = arith.constant 0 : i32
          %dma_start3A_114 = tpu.memref_slice %arg12[%dma_start3A_112, %dma_start3A_113] : memref<10240x128xf32, #tpu.memory_space<vmem_shared>> -> memref<10240x128xf32, #tpu.memory_space<vmem_shared>>
          tpu.enqueue_indirect_dma source(%arg11 : memref<125x128xf32, #tpu.memory_space<vmem>>) target(%dma_start3A_114 : memref<10240x128xf32, #tpu.memory_space<vmem_shared>>) offsets(%dma_start3A_111 : memref<125xi32, #tpu.memory_space<vmem>>) semaphore(%run_scoped3A : memref<!tpu.dma_semaphore, #tpu.memory_space<semaphore_mem>>) {add = true}
          %dma_wait3A_115 = arith.constant 0 : i32
          %dma_wait3A_116 = tpu.memref_slice %arg9[%add3A_95, %dma_wait3A_115] : memref<40x125xi32, #tpu.memory_space<vmem>> -> memref<1x125xi32, #tpu.memory_space<vmem>>
          %dma_wait3A_117 = tpu.memref_squeeze %dma_wait3A_116 : memref<1x125xi32, #tpu.memory_space<vmem>> -> memref<125xi32, #tpu.memory_space<vmem>>
          %dma_wait3A_118 = arith.constant 0 : i32
          %dma_wait3A_119 = arith.constant 0 : i32
          %dma_wait3A_120 = tpu.memref_slice %arg12[%dma_wait3A_118, %dma_wait3A_119] : memref<10240x128xf32, #tpu.memory_space<vmem_shared>> -> memref<10240x128xf32, #tpu.memory_space<vmem_shared>>
          tpu.wait_indirect_dma semaphore(%run_scoped3A : memref<!tpu.dma_semaphore, #tpu.memory_space<semaphore_mem>>) src(%arg11 : memref<125x128xf32, #tpu.memory_space<vmem>>) dst(%dma_wait3A_120 : memref<10240x128xf32, #tpu.memory_space<vmem_shared>>)
          tpu.yield
        }) : () -> ()
        %add3A_102 = arith.constant 2 : i32
        %add3A_103 = arith.addi %add3A_95, %add3A_102 : i32
        %lt3A_104 = arith.constant 40 : i32
        %lt3A_105 = arith.cmpi slt, %add3A_103, %lt3A_104 : i32
        %convert_element_type3A_106 = arith.extui %lt3A_105 : i1 to i32
        %cond3A_107 = arith.constant 0 : i32
        %cond3A_108 = arith.cmpi ne, %convert_element_type3A_106, %cond3A_107 : i32
        scf.if %cond3A_108 {
          %dma_start3A_109 = arith.constant 0 : i32
          %dma_start3A_110 = tpu.memref_slice %arg8[%add3A_103, %dma_start3A_109] : memref<40x125xi32, #tpu.memory_space<vmem>> -> memref<1x125xi32, #tpu.memory_space<vmem>>
          %dma_start3A_111 = tpu.memref_squeeze %dma_start3A_110 : memref<1x125xi32, #tpu.memory_space<vmem>> -> memref<125xi32, #tpu.memory_space<vmem>>
          %dma_start3A_112 = arith.constant 0 : i32
          %dma_start3A_113 = arith.constant 0 : i32
          %dma_start3A_114 = tpu.memref_slice %arg3[%dma_start3A_112, %dma_start3A_113] : memref<10000x128xf32, #tpu.memory_space<hbm>> -> memref<10000x128xf32, #tpu.memory_space<hbm>>
          tpu.enqueue_indirect_dma source(%dma_start3A_114 : memref<10000x128xf32, #tpu.memory_space<hbm>>) target(%arg11 : memref<125x128xf32, #tpu.memory_space<vmem>>) offsets(%dma_start3A_111 : memref<125xi32, #tpu.memory_space<vmem>>) semaphore(%arg14 : memref<!tpu.dma_semaphore, #tpu.memory_space<semaphore_mem>>)
        } else {
        }
      }
      %scan3A_51 = arith.constant 20 : i32
      %mul3A_52 = arith.constant 80 : i32
      %mul3A_53 = arith.muli %arg1, %mul3A_52 : i32
      %add3A = arith.constant 40 : i32
      %add3A_54 = arith.addi %mul3A_53, %add3A : i32
      "tpu.region"() ({
        %run_scoped3A = tpu.sem_alloc : memref<!tpu.dma_semaphore, #tpu.memory_space<semaphore_mem>>
        %dma_start3A_75 = arith.constant 0 : i32
        %dma_start3A_76 = tpu.memref_slice %arg4[%add3A_54, %dma_start3A_75] : memref<1280x125xi32, #tpu.memory_space<hbm>> -> memref<40x125xi32, #tpu.memory_space<hbm>>
        %dma_start3A_77 = arith.constant 0 : i32
        %dma_start3A_78 = tpu.memref_slice %arg4[%add3A_54, %dma_start3A_77] : memref<1280x125xi32, #tpu.memory_space<hbm>> -> memref<40x125xi32, #tpu.memory_space<hbm>>
        tpu.enqueue_dma source(%dma_start3A_78 : memref<40x125xi32, #tpu.memory_space<hbm>>) target(%arg8 : memref<40x125xi32, #tpu.memory_space<vmem>>) target_semaphore(%run_scoped3A : memref<!tpu.dma_semaphore, #tpu.memory_space<semaphore_mem>>)
        %dma_wait3A_79 = arith.constant 0 : i32
        %dma_wait3A_80 = tpu.memref_slice %arg4[%add3A_54, %dma_wait3A_79] : memref<1280x125xi32, #tpu.memory_space<hbm>> -> memref<40x125xi32, #tpu.memory_space<hbm>>
        %dma_wait3A_81 = arith.constant 0 : i32
        %dma_wait3A_82 = tpu.memref_slice %arg4[%add3A_54, %dma_wait3A_81] : memref<1280x125xi32, #tpu.memory_space<hbm>> -> memref<40x125xi32, #tpu.memory_space<hbm>>
        tpu.wait_dma2 semaphore(%run_scoped3A : memref<!tpu.dma_semaphore, #tpu.memory_space<semaphore_mem>>) src(%dma_wait3A_82 : memref<40x125xi32, #tpu.memory_space<hbm>>) dst(%arg8 : memref<40x125xi32, #tpu.memory_space<vmem>>)
        tpu.yield
      }) : () -> ()
      "tpu.region"() ({
        %run_scoped3A = tpu.sem_alloc : memref<!tpu.dma_semaphore, #tpu.memory_space<semaphore_mem>>
        %dma_start3A_75 = arith.constant 0 : i32
        %dma_start3A_76 = tpu.memref_slice %arg5[%add3A_54, %dma_start3A_75] : memref<1280x125xi32, #tpu.memory_space<hbm>> -> memref<40x125xi32, #tpu.memory_space<hbm>>
        %dma_start3A_77 = arith.constant 0 : i32
        %dma_start3A_78 = tpu.memref_slice %arg5[%add3A_54, %dma_start3A_77] : memref<1280x125xi32, #tpu.memory_space<hbm>> -> memref<40x125xi32, #tpu.memory_space<hbm>>
        tpu.enqueue_dma source(%dma_start3A_78 : memref<40x125xi32, #tpu.memory_space<hbm>>) target(%arg9 : memref<40x125xi32, #tpu.memory_space<vmem>>) target_semaphore(%run_scoped3A : memref<!tpu.dma_semaphore, #tpu.memory_space<semaphore_mem>>)
        %dma_wait3A_79 = arith.constant 0 : i32
        %dma_wait3A_80 = tpu.memref_slice %arg5[%add3A_54, %dma_wait3A_79] : memref<1280x125xi32, #tpu.memory_space<hbm>> -> memref<40x125xi32, #tpu.memory_space<hbm>>
        %dma_wait3A_81 = arith.constant 0 : i32
        %dma_wait3A_82 = tpu.memref_slice %arg5[%add3A_54, %dma_wait3A_81] : memref<1280x125xi32, #tpu.memory_space<hbm>> -> memref<40x125xi32, #tpu.memory_space<hbm>>
        tpu.wait_dma2 semaphore(%run_scoped3A : memref<!tpu.dma_semaphore, #tpu.memory_space<semaphore_mem>>) src(%dma_wait3A_82 : memref<40x125xi32, #tpu.memory_space<hbm>>) dst(%arg9 : memref<40x125xi32, #tpu.memory_space<vmem>>)
        tpu.yield
      }) : () -> ()
      %dma_start3A_55 = arith.constant 0 : i32
      %dma_start3A_56 = arith.constant 0 : i32
      %dma_start3A_57 = tpu.memref_slice %arg8[%dma_start3A_55, %dma_start3A_56] : memref<40x125xi32, #tpu.memory_space<vmem>> -> memref<1x125xi32, #tpu.memory_space<vmem>>
      %dma_start3A_58 = tpu.memref_squeeze %dma_start3A_57 : memref<1x125xi32, #tpu.memory_space<vmem>> -> memref<125xi32, #tpu.memory_space<vmem>>
      %dma_start3A_59 = arith.constant 0 : i32
      %dma_start3A_60 = arith.constant 0 : i32
      %dma_start3A_61 = tpu.memref_slice %arg3[%dma_start3A_59, %dma_start3A_60] : memref<10000x128xf32, #tpu.memory_space<hbm>> -> memref<10000x128xf32, #tpu.memory_space<hbm>>
      tpu.enqueue_indirect_dma source(%dma_start3A_61 : memref<10000x128xf32, #tpu.memory_space<hbm>>) target(%arg10 : memref<125x128xf32, #tpu.memory_space<vmem>>) offsets(%dma_start3A_58 : memref<125xi32, #tpu.memory_space<vmem>>) semaphore(%arg13 : memref<!tpu.dma_semaphore, #tpu.memory_space<semaphore_mem>>)
      %dma_start3A_62 = arith.constant 1 : i32
      %dma_start3A_63 = arith.constant 0 : i32
      %dma_start3A_64 = tpu.memref_slice %arg8[%dma_start3A_62, %dma_start3A_63] : memref<40x125xi32, #tpu.memory_space<vmem>> -> memref<1x125xi32, #tpu.memory_space<vmem>>
      %dma_start3A_65 = tpu.memref_squeeze %dma_start3A_64 : memref<1x125xi32, #tpu.memory_space<vmem>> -> memref<125xi32, #tpu.memory_space<vmem>>
      %dma_start3A_66 = arith.constant 0 : i32
      %dma_start3A_67 = arith.constant 0 : i32
      %dma_start3A_68 = tpu.memref_slice %arg3[%dma_start3A_66, %dma_start3A_67] : memref<10000x128xf32, #tpu.memory_space<hbm>> -> memref<10000x128xf32, #tpu.memory_space<hbm>>
      tpu.enqueue_indirect_dma source(%dma_start3A_68 : memref<10000x128xf32, #tpu.memory_space<hbm>>) target(%arg11 : memref<125x128xf32, #tpu.memory_space<vmem>>) offsets(%dma_start3A_65 : memref<125xi32, #tpu.memory_space<vmem>>) semaphore(%arg14 : memref<!tpu.dma_semaphore, #tpu.memory_space<semaphore_mem>>)
      %scan3A_69 = arith.constant 0 : i32
      %scan3A_70 = arith.constant 0 : i32
      %scan3A_71 = arith.constant 20 : i32
      %scan3A_72 = arith.addi %scan3A_70, %scan3A_71 : i32
      %scan3A_73 = arith.constant 1 : i32
      scf.for %scan3A_75 = %scan3A_70 to %scan3A_72 step %scan3A_73  : i32 {
        %mul3A_76 = arith.constant 2 : i32
        %mul3A_77 = arith.muli %mul3A_76, %scan3A_75 : i32
        %add3A_78 = arith.constant 0 : i32
        %add3A_79 = arith.addi %mul3A_77, %add3A_78 : i32
        %dma_wait3A_80 = arith.constant 0 : i32
        %dma_wait3A_81 = tpu.memref_slice %arg8[%add3A_79, %dma_wait3A_80] : memref<40x125xi32, #tpu.memory_space<vmem>> -> memref<1x125xi32, #tpu.memory_space<vmem>>
        %dma_wait3A_82 = tpu.memref_squeeze %dma_wait3A_81 : memref<1x125xi32, #tpu.memory_space<vmem>> -> memref<125xi32, #tpu.memory_space<vmem>>
        %dma_wait3A_83 = arith.constant 0 : i32
        %dma_wait3A_84 = arith.constant 0 : i32
        %dma_wait3A_85 = tpu.memref_slice %arg3[%dma_wait3A_83, %dma_wait3A_84] : memref<10000x128xf32, #tpu.memory_space<hbm>> -> memref<10000x128xf32, #tpu.memory_space<hbm>>
        tpu.wait_indirect_dma semaphore(%arg13 : memref<!tpu.dma_semaphore, #tpu.memory_space<semaphore_mem>>) src(%dma_wait3A_85 : memref<10000x128xf32, #tpu.memory_space<hbm>>) dst(%arg10 : memref<125x128xf32, #tpu.memory_space<vmem>>)
        "tpu.region"() ({
          %run_scoped3A = tpu.sem_alloc : memref<!tpu.dma_semaphore, #tpu.memory_space<semaphore_mem>>
          %dma_start3A_109 = arith.constant 0 : i32
          %dma_start3A_110 = tpu.memref_slice %arg9[%add3A_79, %dma_start3A_109] : memref<40x125xi32, #tpu.memory_space<vmem>> -> memref<1x125xi32, #tpu.memory_space<vmem>>
          %dma_start3A_111 = tpu.memref_squeeze %dma_start3A_110 : memref<1x125xi32, #tpu.memory_space<vmem>> -> memref<125xi32, #tpu.memory_space<vmem>>
          %dma_start3A_112 = arith.constant 0 : i32
          %dma_start3A_113 = arith.constant 0 : i32
          %dma_start3A_114 = tpu.memref_slice %arg12[%dma_start3A_112, %dma_start3A_113] : memref<10240x128xf32, #tpu.memory_space<vmem_shared>> -> memref<10240x128xf32, #tpu.memory_space<vmem_shared>>
          tpu.enqueue_indirect_dma source(%arg10 : memref<125x128xf32, #tpu.memory_space<vmem>>) target(%dma_start3A_114 : memref<10240x128xf32, #tpu.memory_space<vmem_shared>>) offsets(%dma_start3A_111 : memref<125xi32, #tpu.memory_space<vmem>>) semaphore(%run_scoped3A : memref<!tpu.dma_semaphore, #tpu.memory_space<semaphore_mem>>) {add = true}
          %dma_wait3A_115 = arith.constant 0 : i32
          %dma_wait3A_116 = tpu.memref_slice %arg9[%add3A_79, %dma_wait3A_115] : memref<40x125xi32, #tpu.memory_space<vmem>> -> memref<1x125xi32, #tpu.memory_space<vmem>>
          %dma_wait3A_117 = tpu.memref_squeeze %dma_wait3A_116 : memref<1x125xi32, #tpu.memory_space<vmem>> -> memref<125xi32, #tpu.memory_space<vmem>>
          %dma_wait3A_118 = arith.constant 0 : i32
          %dma_wait3A_119 = arith.constant 0 : i32
          %dma_wait3A_120 = tpu.memref_slice %arg12[%dma_wait3A_118, %dma_wait3A_119] : memref<10240x128xf32, #tpu.memory_space<vmem_shared>> -> memref<10240x128xf32, #tpu.memory_space<vmem_shared>>
          tpu.wait_indirect_dma semaphore(%run_scoped3A : memref<!tpu.dma_semaphore, #tpu.memory_space<semaphore_mem>>) src(%arg10 : memref<125x128xf32, #tpu.memory_space<vmem>>) dst(%dma_wait3A_120 : memref<10240x128xf32, #tpu.memory_space<vmem_shared>>)
          tpu.yield
        }) : () -> ()
        %add3A_86 = arith.constant 2 : i32
        %add3A_87 = arith.addi %add3A_79, %add3A_86 : i32
        %lt3A = arith.constant 40 : i32
        %lt3A_88 = arith.cmpi slt, %add3A_87, %lt3A : i32
        %convert_element_type3A_89 = arith.extui %lt3A_88 : i1 to i32
        %cond3A_90 = arith.constant 0 : i32
        %cond3A_91 = arith.cmpi ne, %convert_element_type3A_89, %cond3A_90 : i32
        scf.if %cond3A_91 {
          %dma_start3A_109 = arith.constant 0 : i32
          %dma_start3A_110 = tpu.memref_slice %arg8[%add3A_87, %dma_start3A_109] : memref<40x125xi32, #tpu.memory_space<vmem>> -> memref<1x125xi32, #tpu.memory_space<vmem>>
          %dma_start3A_111 = tpu.memref_squeeze %dma_start3A_110 : memref<1x125xi32, #tpu.memory_space<vmem>> -> memref<125xi32, #tpu.memory_space<vmem>>
          %dma_start3A_112 = arith.constant 0 : i32
          %dma_start3A_113 = arith.constant 0 : i32
          %dma_start3A_114 = tpu.memref_slice %arg3[%dma_start3A_112, %dma_start3A_113] : memref<10000x128xf32, #tpu.memory_space<hbm>> -> memref<10000x128xf32, #tpu.memory_space<hbm>>
          tpu.enqueue_indirect_dma source(%dma_start3A_114 : memref<10000x128xf32, #tpu.memory_space<hbm>>) target(%arg10 : memref<125x128xf32, #tpu.memory_space<vmem>>) offsets(%dma_start3A_111 : memref<125xi32, #tpu.memory_space<vmem>>) semaphore(%arg13 : memref<!tpu.dma_semaphore, #tpu.memory_space<semaphore_mem>>)
        } else {
        }
        %mul3A_92 = arith.constant 2 : i32
        %mul3A_93 = arith.muli %mul3A_92, %scan3A_75 : i32
        %add3A_94 = arith.constant 1 : i32
        %add3A_95 = arith.addi %mul3A_93, %add3A_94 : i32
        %dma_wait3A_96 = arith.constant 0 : i32
        %dma_wait3A_97 = tpu.memref_slice %arg8[%add3A_95, %dma_wait3A_96] : memref<40x125xi32, #tpu.memory_space<vmem>> -> memref<1x125xi32, #tpu.memory_space<vmem>>
        %dma_wait3A_98 = tpu.memref_squeeze %dma_wait3A_97 : memref<1x125xi32, #tpu.memory_space<vmem>> -> memref<125xi32, #tpu.memory_space<vmem>>
        %dma_wait3A_99 = arith.constant 0 : i32
        %dma_wait3A_100 = arith.constant 0 : i32
        %dma_wait3A_101 = tpu.memref_slice %arg3[%dma_wait3A_99, %dma_wait3A_100] : memref<10000x128xf32, #tpu.memory_space<hbm>> -> memref<10000x128xf32, #tpu.memory_space<hbm>>
        tpu.wait_indirect_dma semaphore(%arg14 : memref<!tpu.dma_semaphore, #tpu.memory_space<semaphore_mem>>) src(%dma_wait3A_101 : memref<10000x128xf32, #tpu.memory_space<hbm>>) dst(%arg11 : memref<125x128xf32, #tpu.memory_space<vmem>>)
        "tpu.region"() ({
          %run_scoped3A = tpu.sem_alloc : memref<!tpu.dma_semaphore, #tpu.memory_space<semaphore_mem>>
          %dma_start3A_109 = arith.constant 0 : i32
          %dma_start3A_110 = tpu.memref_slice %arg9[%add3A_95, %dma_start3A_109] : memref<40x125xi32, #tpu.memory_space<vmem>> -> memref<1x125xi32, #tpu.memory_space<vmem>>
          %dma_start3A_111 = tpu.memref_squeeze %dma_start3A_110 : memref<1x125xi32, #tpu.memory_space<vmem>> -> memref<125xi32, #tpu.memory_space<vmem>>
          %dma_start3A_112 = arith.constant 0 : i32
          %dma_start3A_113 = arith.constant 0 : i32
          %dma_start3A_114 = tpu.memref_slice %arg12[%dma_start3A_112, %dma_start3A_113] : memref<10240x128xf32, #tpu.memory_space<vmem_shared>> -> memref<10240x128xf32, #tpu.memory_space<vmem_shared>>
          tpu.enqueue_indirect_dma source(%arg11 : memref<125x128xf32, #tpu.memory_space<vmem>>) target(%dma_start3A_114 : memref<10240x128xf32, #tpu.memory_space<vmem_shared>>) offsets(%dma_start3A_111 : memref<125xi32, #tpu.memory_space<vmem>>) semaphore(%run_scoped3A : memref<!tpu.dma_semaphore, #tpu.memory_space<semaphore_mem>>) {add = true}
          %dma_wait3A_115 = arith.constant 0 : i32
          %dma_wait3A_116 = tpu.memref_slice %arg9[%add3A_95, %dma_wait3A_115] : memref<40x125xi32, #tpu.memory_space<vmem>> -> memref<1x125xi32, #tpu.memory_space<vmem>>
          %dma_wait3A_117 = tpu.memref_squeeze %dma_wait3A_116 : memref<1x125xi32, #tpu.memory_space<vmem>> -> memref<125xi32, #tpu.memory_space<vmem>>
          %dma_wait3A_118 = arith.constant 0 : i32
          %dma_wait3A_119 = arith.constant 0 : i32
          %dma_wait3A_120 = tpu.memref_slice %arg12[%dma_wait3A_118, %dma_wait3A_119] : memref<10240x128xf32, #tpu.memory_space<vmem_shared>> -> memref<10240x128xf32, #tpu.memory_space<vmem_shared>>
          tpu.wait_indirect_dma semaphore(%run_scoped3A : memref<!tpu.dma_semaphore, #tpu.memory_space<semaphore_mem>>) src(%arg11 : memref<125x128xf32, #tpu.memory_space<vmem>>) dst(%dma_wait3A_120 : memref<10240x128xf32, #tpu.memory_space<vmem_shared>>)
          tpu.yield
        }) : () -> ()
        %add3A_102 = arith.constant 2 : i32
        %add3A_103 = arith.addi %add3A_95, %add3A_102 : i32
        %lt3A_104 = arith.constant 40 : i32
        %lt3A_105 = arith.cmpi slt, %add3A_103, %lt3A_104 : i32
        %convert_element_type3A_106 = arith.extui %lt3A_105 : i1 to i32
        %cond3A_107 = arith.constant 0 : i32
        %cond3A_108 = arith.cmpi ne, %convert_element_type3A_106, %cond3A_107 : i32
        scf.if %cond3A_108 {
          %dma_start3A_109 = arith.constant 0 : i32
          %dma_start3A_110 = tpu.memref_slice %arg8[%add3A_103, %dma_start3A_109] : memref<40x125xi32, #tpu.memory_space<vmem>> -> memref<1x125xi32, #tpu.memory_space<vmem>>
          %dma_start3A_111 = tpu.memref_squeeze %dma_start3A_110 : memref<1x125xi32, #tpu.memory_space<vmem>> -> memref<125xi32, #tpu.memory_space<vmem>>
          %dma_start3A_112 = arith.constant 0 : i32
          %dma_start3A_113 = arith.constant 0 : i32
          %dma_start3A_114 = tpu.memref_slice %arg3[%dma_start3A_112, %dma_start3A_113] : memref<10000x128xf32, #tpu.memory_space<hbm>> -> memref<10000x128xf32, #tpu.memory_space<hbm>>
          tpu.enqueue_indirect_dma source(%dma_start3A_114 : memref<10000x128xf32, #tpu.memory_space<hbm>>) target(%arg11 : memref<125x128xf32, #tpu.memory_space<vmem>>) offsets(%dma_start3A_111 : memref<125xi32, #tpu.memory_space<vmem>>) semaphore(%arg14 : memref<!tpu.dma_semaphore, #tpu.memory_space<semaphore_mem>>)
        } else {
        }
      }
      %scan3A_74 = arith.constant 20 : i32
    } else {
    }
    %barrier3A = arith.constant 0 : index
    tpu.barrier barrier_id(%barrier3A)
    %mul3A_26 = arith.constant 640 : i32
    %mul3A_27 = arith.muli %arg1, %mul3A_26 : i32
    %mul3A_28 = arith.constant 640 : i32
    %mul3A_29 = arith.muli %arg1, %mul3A_28 : i32
    "tpu.region"() ({
      %run_scoped3A = tpu.sem_alloc : memref<!tpu.dma_semaphore, #tpu.memory_space<semaphore_mem>>
      %dma_start3A_30 = arith.constant 0 : i32
      %dma_start3A_31 = tpu.memref_slice %arg7[%arg0, %mul3A_29, %dma_start3A_30] : memref<2x10240x128xf32, #tpu.memory_space<hbm>> -> memref<1x640x128xf32, #tpu.memory_space<hbm>>
      %dma_start3A_32 = tpu.memref_squeeze %dma_start3A_31 : memref<1x640x128xf32, #tpu.memory_space<hbm>> -> memref<640x128xf32, #tpu.memory_space<hbm>>
      %dma_start3A_33 = arith.constant 0 : i32
      %dma_start3A_34 = tpu.memref_slice %arg12[%mul3A_27, %dma_start3A_33] : memref<10240x128xf32, #tpu.memory_space<vmem_shared>> -> memref<640x128xf32, #tpu.memory_space<vmem_shared>>
      tpu.enqueue_dma source(%dma_start3A_34 : memref<640x128xf32, #tpu.memory_space<vmem_shared>>) target(%dma_start3A_32 : memref<640x128xf32, #tpu.memory_space<hbm>>) target_semaphore(%run_scoped3A : memref<!tpu.dma_semaphore, #tpu.memory_space<semaphore_mem>>)
      %dma_wait3A_35 = arith.constant 0 : i32
      %dma_wait3A_36 = tpu.memref_slice %arg7[%arg0, %mul3A_29, %dma_wait3A_35] : memref<2x10240x128xf32, #tpu.memory_space<hbm>> -> memref<1x640x128xf32, #tpu.memory_space<hbm>>
      %dma_wait3A_37 = tpu.memref_squeeze %dma_wait3A_36 : memref<1x640x128xf32, #tpu.memory_space<hbm>> -> memref<640x128xf32, #tpu.memory_space<hbm>>
      %dma_wait3A_38 = arith.constant 0 : i32
      %dma_wait3A_39 = tpu.memref_slice %arg12[%mul3A_27, %dma_wait3A_38] : memref<10240x128xf32, #tpu.memory_space<vmem_shared>> -> memref<640x128xf32, #tpu.memory_space<vmem_shared>>
      tpu.wait_dma2 semaphore(%run_scoped3A : memref<!tpu.dma_semaphore, #tpu.memory_space<semaphore_mem>>) src(%dma_wait3A_39 : memref<640x128xf32, #tpu.memory_space<vmem_shared>>) dst(%dma_wait3A_37 : memref<640x128xf32, #tpu.memory_space<hbm>>)
      tpu.yield
    }) : () -> ()
    return
  }
}

module attributes {stable_mosaic.version = 14 : i64} {
  func.func @_mm_body(%arg0: i32, %arg1: memref<2x2000x128xf32, #tpu.memory_space<vmem>>, %arg2: memref<256x256xf32, #tpu.memory_space<vmem>>, %arg3: memref<1x256xf32, #tpu.memory_space<vmem>>, %arg4: memref<2000x256xf32, #tpu.memory_space<vmem>>) attributes {dimension_semantics = [#tpu.dimension_semantics<arbitrary>], iteration_bounds = array<i64: 5>, scalar_prefetch = 0 : i64, scratch_operands = 0 : i64, tpu.core_type = #tpu.core_type<tc>, window_params = [{transform_indices = @transform_0, window_bounds = array<i64: 2, 2000, 128>}, {pipeline_mode = #tpu.pipeline_mode<synchronous>, transform_indices = @transform_1, window_bounds = array<i64: 256, 256>}, {pipeline_mode = #tpu.pipeline_mode<synchronous>, transform_indices = @transform_2, window_bounds = array<i64: 1, 256>}, {transform_indices = @transform_3, window_bounds = array<i64: 2000, 256>}]} {
    %get3A = arith.constant 0 : index
    %get3A_0 = arith.constant 0 : index
    %get3A_1 = arith.constant 0 : index
    %get3A_2 = vector.load %arg1[%get3A, %get3A_0, %get3A_1] : memref<2x2000x128xf32, #tpu.memory_space<vmem>>, vector<2x2000x128xf32>
    %get3A_3 = arith.constant 0 : index
    %get3A_4 = arith.constant 0 : index
    %get3A_5 = vector.load %arg2[%get3A_3, %get3A_4] : memref<256x256xf32, #tpu.memory_space<vmem>>, vector<256x256xf32>
    %slice3A = vector.extract_strided_slice %get3A_2 {offsets = [0, 0, 0], sizes = [1, 2000, 128], strides = [1, 1, 1]} : vector<2x2000x128xf32> to vector<1x2000x128xf32>
    %squeeze3A = vector.shape_cast %slice3A : vector<1x2000x128xf32> to vector<2000x128xf32>
    %slice3A_6 = vector.extract_strided_slice %get3A_5 {offsets = [0, 0], sizes = [256, 128], strides = [1, 1]} : vector<256x256xf32> to vector<256x128xf32>
    %dot_general3A = arith.constant dense<0.000000e+00> : vector<2000x256xf32>
    %dot_general3A_7 = tpu.matmul %squeeze3A, %slice3A_6, %dot_general3A {dimension_numbers = #tpu.dot_dimension_numbers<[1], [1], [0], [0], [0, 0, 1, 0], [], []>, transpose_lhs_hint = false} : vector<2000x128xf32>, vector<256x128xf32>, vector<2000x256xf32> -> vector<2000x256xf32>
    %slice3A_8 = vector.extract_strided_slice %get3A_2 {offsets = [1, 0, 0], sizes = [1, 2000, 128], strides = [1, 1, 1]} : vector<2x2000x128xf32> to vector<1x2000x128xf32>
    %squeeze3A_9 = vector.shape_cast %slice3A_8 : vector<1x2000x128xf32> to vector<2000x128xf32>
    %slice3A_10 = vector.extract_strided_slice %get3A_5 {offsets = [0, 128], sizes = [256, 128], strides = [1, 1]} : vector<256x256xf32> to vector<256x128xf32>
    %dot_general3A_11 = arith.constant dense<0.000000e+00> : vector<2000x256xf32>
    %dot_general3A_12 = tpu.matmul %squeeze3A_9, %slice3A_10, %dot_general3A_11 {dimension_numbers = #tpu.dot_dimension_numbers<[1], [1], [0], [0], [0, 0, 1, 0], [], []>, transpose_lhs_hint = false} : vector<2000x128xf32>, vector<256x128xf32>, vector<2000x256xf32> -> vector<2000x256xf32>
    %add3A = arith.addf %dot_general3A_7, %dot_general3A_12 : vector<2000x256xf32>
    %get3A_13 = arith.constant 0 : index
    %get3A_14 = arith.constant 0 : index
    %get3A_15 = vector.load %arg3[%get3A_13, %get3A_14] : memref<1x256xf32, #tpu.memory_space<vmem>>, vector<1x256xf32>
    %add3A_16 = vector.broadcast %get3A_15 : vector<1x256xf32> to vector<2000x256xf32>
    %add3A_17 = arith.addf %add3A, %add3A_16 : vector<2000x256xf32>
    %swap3A = arith.constant 0 : index
    %swap3A_18 = arith.constant 0 : index
    %swap3A_19 = vector.load %arg4[%swap3A, %swap3A_18] : memref<2000x256xf32, #tpu.memory_space<vmem>>, vector<2000x256xf32>
    tpu.vector_store %arg4[%swap3A, %swap3A_18], %add3A_17 {strides = array<i32>} : memref<2000x256xf32, #tpu.memory_space<vmem>>, vector<2000x256xf32>,
    return
  }
  func.func @transform_0(%arg0: i32) -> (i32, i32, i32) {
    %c0_i32 = arith.constant 0 : i32
    %c0_i32_0 = arith.constant 0 : i32
    %c0_i32_1 = arith.constant 0 : i32
    return %c0_i32, %arg0, %c0_i32_0 : i32, i32, i32
  }
  func.func @transform_1(%arg0: i32) -> (i32, i32) {
    %c0_i32 = arith.constant 0 : i32
    %c0_i32_0 = arith.constant 0 : i32
    %c0_i32_1 = arith.constant 0 : i32
    return %c0_i32, %c0_i32_0 : i32, i32
  }
  func.func @transform_2(%arg0: i32) -> (i32, i32) {
    %c0_i32 = arith.constant 0 : i32
    %c0_i32_0 = arith.constant 0 : i32
    %c0_i32_1 = arith.constant 0 : i32
    return %c0_i32, %c0_i32_0 : i32, i32
  }
  func.func @transform_3(%arg0: i32) -> (i32, i32) {
    %c0_i32 = arith.constant 0 : i32
    %c0_i32_0 = arith.constant 0 : i32
    return %arg0, %c0_i32 : i32, i32
  }
}

</mosaic_0001>

<sc_bundles>
// kernel: kernel.4.cloned.1.call-start
scs
__scs_entry_jumppad:
0x0: {  	(pc) =	sbr.rel $0x88, $3  }
0x1: {  	(tag) =	ssettag $0x0;
	lr =	simm.s32 $0x1  }
0x2: {  	[smem:$0x3F9D] =	sst lr;
	_ =	strace $0xD0000000  }
0x3: {  	_ = 	snop  }
0x4: {  	_ = 	snop  }
0x5: {  	_ = 	snop  }
0x6: {  	_ = 	snop  }
0x7: {  	_ = 	snop  }
__scs_overlays_trampoline_lowered:
0x8: {  	[smem:$0x3FAC] =	sst s0  }
0x9: {  	[smem:$0x3FAD] =	sst s1  }
0xa: {  	[smem:$0x3FAE] =	sst s2  }
0xb: {  	[smem:$0x3FAF] =	sst s3  }
0xc: {  	[smem:$0x3FB0] =	sst s4  }
0xd: {  	[smem:$0x3FB1] =	sst s5  }
0xe: {  	[smem:$0x3FB2] =	sst s6  }
0xf: {  	[smem:$0x3FB3] =	sst s7  }
0x10: {  	[smem:$0x3FB4] =	sst s8  }
0x11: {  	[smem:$0x3FB5] =	sst s9;
	s0 =	simm.s32 @!p0 $0x0  }
0x12: {  	s1 =	sld [smem:$0x3F9B];
	s0 =	simm.s32 @p0 $0x1  }
0x13: {  	[smem:$0x3FB6] =	sst s0;
	s0 =	simm.s32 @!p1 $0x0  }
0x14: {  	s2 =	sld [smem:$0x3F9A];
	s0 =	simm.s32 @p1 $0x1  }
0x15: {  	[smem:$0x3FB7] =	sst s0;
	s0 =	simm.s32 @!p2 $0x0  }
0x16: {  	s3 =	sld [smem:$0x3FDB];
	s0 =	simm.s32 @p2 $0x1  }
0x17: {  	s4 =	simm.s32 $0x1BF5;
	[smem:$0x3FB9] =	sst s0  }
0x18: {  	s0 =	sld [smem:$0x3F9C];
	_ =	swait.ge [sflag:s4], $0x0  }
0x19: {  	s7 =	sld [smem:$0x3F9D]  }
0x1a: {  	s8 =	sadd.s32 $0xFFFFE003, lr  }
0x1b: {  	s9 =	sadd.s32 $0xFFFFFEF7, lr;
	s5 =	simm.s32 $0xFFFFFFFF;
	p2 =	slt.u32 s8, $0xFFFFF086  }
0x1c: {  	p1 =	slt.u32 s9, $0xF7A;
	s5 =	simm.s32 @!p2 $0x0  }
0x1d: {  	s5 =	simm.s32 @p1 $0x1;
	p0 =	seq.s32 s7, s2  }
0x1e: {  	s7 =	smul.u32 @!p0 $0xF7A, s2;
	p2 =	seq.s32 @!p0 s5, $0x0  }
0x1f: {  	s9 =	smul.u32 $0xF7A, s1;
	s8 =	simm.s32 @!p0 $0x1BF5;
	p2 =	por !p2, p0  }
0x20: {  	[sflag:s8] =	ssyncset.s32 @!p0 $0xFFFFF086;
	s6 =	sadd.s32 @!p0 s3, s7;
	s7 =	simm.s32 @!p0 $0x108  }
0x21: {  	s3 =	sadd.s32 s3, s9;
	s6 =	sadd.s32 @!p0 $0x88, s6;
	s7 =	simm.s32 @p2 $0x1082  }
0x22: {  	[simem:s7], [sflag:s8] =	dma.local @!p0 [hbm:s6], $0xF7A  }
0x23: {  	s9 =	sor.u32 $0xD0000000, s2;
	s6 =	simm.s32 $0x108;
	_ =	swait.ge @!p0 [sflag:s8], $0x0  }
0x24: {  	s3 =	sadd.s32 $0x88, s3;
	s6 =	simm.s32 @!p1 $0x1082;
	[sflag:s4] =	ssyncset.s32 $0xFFFFF086  }
0x25: {  	[simem:s6], [sflag:s4] =	dma.local [hbm:s3], $0xF7A  }
0x26: {  	[smem:$0x3F9D] =	sst s1;
	(tag) =	ssettag s2;
	_ =	strace s9  }
0x27: {  	s1 =	sld [smem:$0x3FAD]  }
0x28: {  	s2 =	sld [smem:$0x3FAE]  }
0x29: {  	s4 =	sld [smem:$0x3FB0]  }
0x2a: {  	p0 =	seq.s32 s5, $0x0;
	s5 =	sld [smem:$0x3FB1]  }
0x2b: {  	s6 =	sld [smem:$0x3FB2]  }
0x2c: {  	s7 =	sld [smem:$0x3FB3]  }
0x2d: {  	s3 =	simm.s32 $0x108;
	s8 =	sld [smem:$0x3FB4]  }
0x2e: {  	s3 =	simm.s32 @!p0 $0x1082;
	s9 =	sld [smem:$0x3FB5]  }
0x2f: {  	lr =	sadd.s32 s0, s3;
	s0 =	sld [smem:$0x3FAC]  }
0x30: {  	s3 =	sld [smem:$0x3FAF]  }
0x31: {  	[smem:$0x3FB8] =	sst s10  }
0x32: {  	s10 =	sld [smem:$0x3FB6];
	_ =	sdelay $0x3  }
0x33: {  	p0 =	seq.s32 s10, $0x1;
	s10 =	sld [smem:$0x3FB8];
	_ =	sdelay $0x3  }
0x34: {  	[smem:$0x3FB8] =	sst s10  }
0x35: {  	s10 =	sld [smem:$0x3FB7];
	_ =	sdelay $0x3  }
0x36: {  	p1 =	seq.s32 s10, $0x1;
	s10 =	sld [smem:$0x3FB8];
	_ =	sdelay $0x3  }
0x37: {  	[smem:$0x3FB8] =	sst s10  }
0x38: {  	s10 =	sld [smem:$0x3FB9]  }
0x39: {  	_ = 	snop;
	(pc) =	sbr.ind lr, $3  }
0x3a: {  	_ = 	snop  }
0x3b: {  	_ = 	snop  }
0x3c: {  	p2 =	seq.s32 s10, $0x1;
	s10 =	sld [smem:$0x3FB8]  }
0x3d: {  	_ =	shalt  }
0x3e: {  	_ =	shalt  }
0x3f: {  	_ =	shalt  }
0x40: {  	_ =	shalt  }
0x41: {  	_ =	shalt  }
0x42: {  	_ =	shalt  }
0x43: {  	_ =	shalt  }
0x44: {  	_ =	shalt  }
0x45: {  	_ =	shalt  }
0x46: {  	_ =	shalt  }
0x47: {  	_ =	shalt  }
0x48: {  	_ =	shalt  }
0x49: {  	_ =	shalt  }
0x4a: {  	_ =	shalt  }
0x4b: {  	_ =	shalt  }
0x4c: {  	_ =	shalt  }
0x4d: {  	_ =	shalt  }
0x4e: {  	_ =	shalt  }
0x4f: {  	_ =	shalt  }
0x50: {  	_ =	shalt  }
0x51: {  	_ =	shalt  }
0x52: {  	_ =	shalt  }
0x53: {  	_ =	shalt  }
0x54: {  	_ =	shalt  }
0x55: {  	_ =	shalt  }
0x56: {  	_ =	shalt  }
0x57: {  	_ =	shalt  }
0x58: {  	_ =	shalt  }
0x59: {  	_ =	shalt  }
0x5a: {  	_ =	shalt  }
0x5b: {  	_ =	shalt  }
0x5c: {  	_ =	shalt  }
0x5d: {  	_ =	shalt  }
0x5e: {  	_ =	shalt  }
0x5f: {  	_ =	shalt  }
0x60: {  	_ =	shalt  }
0x61: {  	_ =	shalt  }
0x62: {  	_ =	shalt  }
0x63: {  	_ =	shalt  }
0x64: {  	_ =	shalt  }
0x65: {  	_ =	shalt  }
0x66: {  	_ =	shalt  }
0x67: {  	_ =	shalt  }
0x68: {  	_ =	shalt  }
0x69: {  	_ =	shalt  }
0x6a: {  	_ =	shalt  }
0x6b: {  	_ =	shalt  }
0x6c: {  	_ =	shalt  }
0x6d: {  	_ =	shalt  }
0x6e: {  	_ =	shalt  }
0x6f: {  	_ =	shalt  }
0x70: {  	_ =	shalt  }
0x71: {  	_ =	shalt  }
0x72: {  	_ =	shalt  }
0x73: {  	_ =	shalt  }
0x74: {  	_ =	shalt  }
0x75: {  	_ =	shalt  }
0x76: {  	_ =	shalt  }
0x77: {  	_ =	shalt  }
0x78: {  	_ =	shalt  }
0x79: {  	_ =	shalt  }
0x7a: {  	_ =	shalt  }
0x7b: {  	_ =	shalt  }
0x7c: {  	_ =	shalt  }
0x7d: {  	_ =	shalt  }
0x7e: {  	_ =	shalt  }
0x7f: {  	_ =	shalt  }
0x80: {  	_ =	shalt  }
0x81: {  	_ =	shalt  }
0x82: {  	_ =	shalt  }
0x83: {  	_ =	shalt  }
0x84: {  	_ =	shalt  }
0x85: {  	_ =	shalt  }
0x86: {  	_ =	shalt  }
0x87: {  	_ =	shalt  }
.Lfunc_end0:
.L_simem_size_0:
called_computation_lowered:
.L_overlay_start_0:
0x88: {  	s2 =	sld [smem:$0x3FD9]  }
0x89: {  	s3 =	sld [smem:$0x3FFE];
	_ =	sdelay $0x1  }
0x8a: {  	s1 =	srdreg.scid  }
0x8b: {  	s0 =	sand.u32 $0x1, s1  }
0x8c: {  	s17 =	sshll.u32 s0, $0xA;
	s2 =	sadd.s32 s3, s2  }
0x8d: {  	s2 =	sadd.s32 s2, s17  }
0x8e: {  	[smem:$0x3FC4] =	sst s2  }
0x8f: {  	_ = 	snop  }
0x90: {  	s2 =	sld [smem:$0x3FD0];
	(tm) =	ssettm $0x1  }
0x91: {  	s18 =	sld [smem:$0x3FFB];
	_ =	sdelay $0x3  }
0x92: {  	_ =	strace s18  }
0x93: {  	s3 =	sld [smem:$0x3FFC];
	_ =	sdelay $0x3  }
0x94: {  	_ =	strace s3  }
0x95: {  	s3 =	sld [smem:$0x3FFD];
	_ =	sdelay $0x3  }
0x96: {  	_ =	strace s3  }
0x97: {  	_ =	strace $0x8FFFFFFF  }
0x98: {  	s19 =	sld [smem:$0x3FDB];
	_ =	sdelay $0x1  }
0x99: {  	s4 =	simm.s32 $_scs_section_size  }
0x9a: {  	s5 =	simm.s32 $_size__tile_overlayer_lowered;
	s6 =	simm.s32 $_tile_overlayer_lowered  }
0x9b: {  	s22 =	simm.s32 $0x1BFF;
	s21 =	sshll.u32 s6, $0x1;
	s3 =	sadd.s32 s4, s19  }
0x9c: {  	s7 =	simm.s32 $0x0;
	s20 =	sshll.u32 s5, $0x1;
	s5 =	sadd.s32 s21, s3  }
0x9d: {  	[timem:s7], [sflag:s22] =	dma.local [hbm:s5], s20  }
0x9e: {  	_ =	swait.ge [sflag:s22], s20  }
0x9f: {  	s4 =	ssub.s32 $0x0, s20;
	[sflag:s22] =	ssyncset.done $0x0  }
0xa0: {  	[sflag:s22] =	ssyncadd.s32 s4;
	_ =	sdelay $0x1  }
0xa1: {  	s23 =	simm.s32 $0x1B8B  }
0xa2: {  	_ =	swait.ge [sflag:s23], $0x1  }
0xa3: {  	[sflag:s23] =	ssyncset.done $0x0  }
0xa4: {  	s25 =	simm.s32 $0x1B8E;
	s24 =	sld [smem:$0x3FFE];
	[sflag:s23] =	ssyncadd.s32 $0xFFFFFFFF  }
0xa5: {  	s26 =	simm.s32 $execute0_lowered;
	[smem:$0x3FD2] =	sst s25  }
0xa6: {  	s5 =	sshll.u32 s26, $0x1;
	_ =	strace $0x80000046;
	[dreg:$0x1] =	wrdreg $0xFFFFFFFF  }
0xa7: {  	s28 =	simm.s32 $_size_execute0_lowered;
	s3 =	sadd.s32 s3, s5;
	[dreg:$0x0] =	wrdreg $0x0  }
0xa8: {  	s5 =	sshll.u32 s28, $0x1;
	[dreg:$0x2] =	wrdreg s3  }
0xa9: {  	[dreg:$0x3] =	wrdreg s5  }
0xaa: {  	[dreg:$0x4] =	wrdreg $0xC0  }
0xab: {  	_ =	task [dreg:s7], $0x5FFFF  }
0xac: {  	[dreg:$0x1] =	wrdreg $0xFFFFFFFF  }
0xad: {  	[dreg:$0x0] =	wrdreg $0x60  }
0xae: {  	[dreg:$0x2] =	wrdreg s24  }
0xaf: {  	[dreg:$0x3] =	wrdreg s2  }
0xb0: {  	[dreg:$0x4] =	wrdreg $0xA8000  }
0xb1: {  	[dreg:$0x5] =	wrdreg $0x9  }
0xb2: {  	_ =	task.clear_ibuf [dreg:s7], $0x6FFFF;
	_ =	strace $0x90000046  }
0xb3: {  	s29 =	simm.s32 $0x9;
	_ =	strace $0x80000048  }
0xb4: {  	_ =	swait.ge [sflag:s29], $0x1  }
0xb5: {  	[sflag:s29] =	ssyncadd.s32 $0xFFFFFFFF  }
0xb6: {  	_ =	strace $0x90000048  }
0xb7: {  	_ =	sfence  }
0xb8: {  	s30 =	sld [smem:$0x0];
	_ =	sdelay $0x2  }
0xb9: {  	s31 =	sshll.u32 s1, $0xD;
	s1 =	sshrl.u32 s1, $0x2  }
0xba: {  	s3 =	sand.u32 $0x4000, s31;
	s1 =	sadd.s32 s1, s30  }
0xbb: {  	s0 =	sor.u32 s3, s0;
	s1 =	sshll.u32 s1, $0x11  }
0xbc: {  	s0 =	sor.u32 s1, s0  }
0xbd: {  	s0 =	sadd.s32 $0x8F2B, s0  }
0xbe: {  	[sflag:s0] =	ssyncadd.remote.s32 $0x1  }
0xbf: {  	_ =	sfence.sel $0xFFFF  }
0xc0: {  	[dreg:$0x0] =	wrdreg $0xFFFFFFFF;
	(pc) =	sbr.abs _section_cstart, $3  }
0xc1: {  	[dreg:$0x1] =	wrdreg $0xFFFFFFFF  }
0xc2: {  	_ =	task.clear_ibuf [dreg:s7], $0x2FFFF;
	_ =	strace $0x9FFFFFFF  }
0xc3: {  	(tm) =	ssettm $0x7FFFFFFF  }
tec
execute0_lowered:
.L_overlay_start_1:
0x0: {  	(tag) =	ssettag $0x1  }
0x1: {  	s7 =	rddreg [dreg:$0x0]  }
0x2: {  	s1 =	rddreg [dreg:$0x1]  }
0x3: {  	s2 =	rddreg [dreg:$0x2]  }
0x4: {  	s0 =	rddreg [dreg:$0x3]  }
0x5: {  	s4 =	simm.s32 $0x0;
	s3 =	srdreg.scid;
	s18 =	simm.s32 $0x2  }
0x6: {  	s19 =	simm.s32 $0x7D;
	s20 =	simm.s32 $0x2800;
	s21 =	simm.s32 $0x80  }
0x7: {  	s22 =	simm.s32 $0x6800;
	s23 =	simm.s32 $0x3;
	s11 =	sand.u32 $0x1, s3  }
0x8: {  	s24 =	simm.s32 $0x4;
	s3 =	stileid.u32;
	s8 =	smul.u32 $0x140000, s11  }
0x9: {  	s28 =	simm.s32 $0x0;
	[smem:$0x7FF] =	sst s4;
	s9 =	smul.u32 $0x14000, s3  }
0xa: {  	s5 =	sadd.s32 $0xA400, s7;
	s12 =	sadd.s32 $0x5400, s7;
	s14 =	smul.u32 $0x50000, s3  }
0xb: {  	s13 =	sadd.s32 $0x400, s7;
	s6 =	sadd.s32 $0x31600, s7;
	s26 =	smul.u32 $0x2800, s3  }
0xc: {  	_ =	strace $0x80000047;
	s25 =	ssub.s32 $0x2, s11;
	s30 =	smul.u32 $0x500, s3  }
0xd: {  	p0 =	seq.s32 s11, $0x1;
	s10 =	sshrl.u32 s25, $0x1;
	s8 =	sadd.s32 s9, s8  }
0xe: {  	s16 =	ssub.s32 s25, s10;
	s29 =	sshrl.u32 s14, $0x2;
	s31 =	sshrl.u32 s26, $0x3  }
0xf: {  	s9 =	sadd.s32 s12, s30;
	s10 =	sadd.s32 s13, s30;
	s25 =	simm.s32 $0x2700  }
.Ltmp0:
0x10: {  	s26 =	simm.s32 $0x2780;
	s8 =	sshrl.u32 s8, $0x3;
	(pc) =	sbr.rel .LBB2_1-.Ltmp0, $4  }
0x11: {  	s17 =	sadd.s32 s29, s2;
	s14 =	sadd.s32 $0x280, s31;
	s15 =	sadd.s32 s8, s7  }
0x12: {  	s7 =	sshll.u32 s3, $0x6;
	s11 =	sadd.s32 s12, s14;
	s12 =	sadd.s32 s13, s14  }
0x13: {  	s14 =	smax.u32 s16, $0x1;
	s16 =	simm.s32 $0x1400;
	s8 =	sor.u32 $0x1C03, s7  }
0x14: {  	s13 =	sadd.s32 $0x33E00, s15;
	s15 =	sshrl.u32 s17, $0x3;
	s17 =	simm.s32 $0x1  }
.LBB2_11:
0x15: {  	[tilespmem:s22], [sflag:$0x2] =	stream.indirect.gather [hbm4b:s1+s19], $0x80, s30, s19, $0xb8;
	[tilespmem:$0x1E800] =	vst v63  }
0x16: {  	_ =	swait.ge [sflag:s17], $0x3E80  }
0x17: {  	[sflag:s17] =	ssyncset.done $0x0  }
0x18: {  	[sflag:s17] =	ssyncadd.s32 $0xFFFFC180  }
0x19: {  	[spmem:s2] =	stream.indirect.scatter.add.f32 [tilespmem:s20], [sflag:$0x4], $0x80, s25, s19, $0xb8;
	[tilespmem:$0x1E800] =	vst v63  }
0x1a: {  	_ =	swait.ge [sflag:s24], $0x3E80  }
0x1b: {  	[sflag:s24] =	ssyncset.done $0x0  }
0x1c: {  	[sflag:s24] =	ssyncadd.s32 $0xFFFFC180  }
0x1d: {  	_ =	swait.ge [sflag:s18], $0x3E80  }
0x1e: {  	[sflag:s18] =	ssyncset.done $0x0  }
0x1f: {  	[sflag:s18] =	ssyncadd.s32 $0xFFFFC180  }
0x20: {  	[spmem:s2] =	stream.indirect.scatter.add.f32 [tilespmem:s22], [sflag:$0x4], $0x80, s26, s19, $0xb8;
	[tilespmem:$0x1E800] =	vst v63  }
.LBB2_12:
0x21: {  	_ =	swait.ge [sflag:s24], $0x3E80  }
0x22: {  	s28 =	sadd.s32 $0x1, s28;
	[sflag:s24] =	ssyncset.done $0x0  }
0x23: {  	p1 =	sne.s32 s28, s14;
	[sflag:s24] =	ssyncadd.s32 $0xFFFFC180  }
.Ltmp1:
0x24: {  	s29 =	sor.u32 $0x1C04, s7;
	[bflag:$0x0] =	sbarrier.arrive $0xFFFF;
	(pc) =	sbr.rel @!p1 .LBB2_13-.Ltmp1, $4  }
0x25: {  	[hbm:s13], [sflag:s29] =	dma.local [spmem:s15], $0x2800  }
0x26: {  	_ =	swait.ge [sflag:s24], $0x2800  }
0x27: {  	[sflag:s24] =	ssyncset.done $0x0  }
0x28: {  	[sflag:s24] =	ssyncadd.s32 $0xFFFFD800  }
.LBB2_1:
0x29: {  	[spmem:s15], [sflag:s8] =	dma.local [hbm:s6], $0x2800  }
0x2a: {  	[tilespmem:s4], [sflag:$0x1] =	stream.linear.gather [hbm4b:s9+s4], $0x1400, $0x38;
	[tilespmem:$0x1E800] =	vst v63  }
0x2b: {  	_ = 	snop  }
0x2c: {  	[tilespmem:s16], [sflag:$0x2] =	stream.linear.gather [hbm4b:s10+s4], $0x1400, $0x38;
	[tilespmem:$0x1E800] =	vst v63  }
0x2d: {  	_ =	swait.ge [sflag:s17], $0x1400  }
.Ltmp2:
0x2e: {  	[sflag:s17] =	ssyncset.done $0x0;
	(pc) =	sbr.rel @!p0 .LBB2_2-.Ltmp2, $4  }
0x2f: {  	[sflag:s17] =	ssyncadd.s32 $0xFFFFEC00  }
0x30: {  	_ =	swait.ge [sflag:s18], $0x1400  }
0x31: {  	[sflag:s18] =	ssyncset.done $0x0  }
0x32: {  	s29 =	simm.s32 $0x0;
	[sflag:s18] =	ssyncadd.s32 $0xFFFFEC00  }
0x33: {  	[tilespmem:s20], [sflag:$0x1] =	stream.indirect.gather [hbm4b:s1+s19], $0x80, s29, s19, $0xb8;
	[tilespmem:$0x1E800] =	vst v63  }
0x34: {  	_ = 	snop  }
0x35: {  	[tilespmem:s22], [sflag:$0x2] =	stream.indirect.gather [hbm4b:s1+s19], $0x80, s21, s19, $0xb8;
	[tilespmem:$0x1E800] =	vst v63  }
0x36: {  	_ =	swait.ge [sflag:s23], $0x2800  }
0x37: {  	[sflag:s23] =	ssyncset.done $0x0  }
0x38: {  	[sflag:s23] =	ssyncadd.s32 $0xFFFFD800  }
0x39: {  	[bflag:$0x0] =	sbarrier.arrive $0xFFFF  }
0x3a: {  	_ =	swait.ge [sflag:s17], $0x3E80  }
0x3b: {  	[sflag:s17] =	ssyncset.done $0x0  }
0x3c: {  	s29 =	simm.s32 $0x1400;
	[sflag:s17] =	ssyncadd.s32 $0xFFFFC180  }
0x3d: {  	[spmem:s2] =	stream.indirect.scatter.add.f32 [tilespmem:s20], [sflag:$0x4], $0x80, s29, s19, $0xb8;
	[tilespmem:$0x1E800] =	vst v63  }
0x3e: {  	_ =	swait.ge [sflag:s24], $0x3E80  }
0x3f: {  	[sflag:s24] =	ssyncset.done $0x0  }
0x40: {  	s29 =	simm.s32 $0x100;
	[sflag:s24] =	ssyncadd.s32 $0xFFFFC180  }
0x41: {  	[tilespmem:s20], [sflag:$0x1] =	stream.indirect.gather [hbm4b:s1+s19], $0x80, s29, s19, $0xb8;
	[tilespmem:$0x1E800] =	vst v63  }
0x42: {  	_ =	swait.ge [sflag:s18], $0x3E80  }
0x43: {  	[sflag:s18] =	ssyncset.done $0x0  }
0x44: {  	s29 =	simm.s32 $0x1480;
	[sflag:s18] =	ssyncadd.s32 $0xFFFFC180  }
0x45: {  	[spmem:s2] =	stream.indirect.scatter.add.f32 [tilespmem:s22], [sflag:$0x4], $0x80, s29, s19, $0xb8;
	[tilespmem:$0x1E800] =	vst v63  }
0x46: {  	_ =	swait.ge [sflag:s24], $0x3E80  }
0x47: {  	[sflag:s24] =	ssyncset.done $0x0  }
0x48: {  	s30 =	simm.s32 $0x180;
	s29 =	simm.s32 $0x400;
	[sflag:s24] =	ssyncadd.s32 $0xFFFFC180  }
.LBB2_8:
0x49: {  	[tilespmem:s22], [sflag:$0x2] =	stream.indirect.gather [hbm4b:s1+s19], $0x80, s30, s19, $0xb8;
	[tilespmem:$0x1E800] =	vst v63  }
0x4a: {  	s30 =	smov.u32 s29  }
0x4b: {  	p1 =	sne.s32 s29, $0x4800;
	s29 =	sadd.s32 $0x400, s29;
	_ =	swait.ge [sflag:s17], $0x3E80  }
0x4c: {  	s30 =	sshra.s32 s30, $0x2;
	[sflag:s17] =	ssyncset.done $0x0  }
0x4d: {  	s31 =	sadd.s32 $0x1400, s30;
	[sflag:s17] =	ssyncadd.s32 $0xFFFFC180  }
0x4e: {  	[spmem:s2] =	stream.indirect.scatter.add.f32 [tilespmem:s20], [sflag:$0x4], $0x80, s31, s19, $0xb8;
	[tilespmem:$0x1E800] =	vst v63  }
0x4f: {  	_ =	swait.ge [sflag:s24], $0x3E80  }
0x50: {  	[sflag:s24] =	ssyncset.done $0x0  }
0x51: {  	s31 =	sadd.s32 $0x100, s30;
	[sflag:s24] =	ssyncadd.s32 $0xFFFFC180  }
0x52: {  	[tilespmem:s20], [sflag:$0x1] =	stream.indirect.gather [hbm4b:s1+s19], $0x80, s31, s19, $0xb8;
	[tilespmem:$0x1E800] =	vst v63  }
0x53: {  	_ =	swait.ge [sflag:s18], $0x3E80  }
0x54: {  	[sflag:s18] =	ssyncset.done $0x0  }
.Ltmp3:
0x55: {  	s31 =	sadd.s32 $0x1480, s30;
	[sflag:s18] =	ssyncadd.s32 $0xFFFFC180;
	(pc) =	sbr.rel @p1 .LBB2_8-.Ltmp3, $4  }
0x56: {  	[spmem:s2] =	stream.indirect.scatter.add.f32 [tilespmem:s22], [sflag:$0x4], $0x80, s31, s19, $0xb8;
	[tilespmem:$0x1E800] =	vst v63  }
0x57: {  	_ =	swait.ge [sflag:s24], $0x3E80  }
0x58: {  	[sflag:s24] =	ssyncset.done $0x0  }
0x59: {  	s30 =	sadd.s32 $0x180, s30;
	[sflag:s24] =	ssyncadd.s32 $0xFFFFC180  }
0x5a: {  	[tilespmem:s22], [sflag:$0x2] =	stream.indirect.gather [hbm4b:s1+s19], $0x80, s30, s19, $0xb8;
	[tilespmem:$0x1E800] =	vst v63  }
0x5b: {  	_ =	swait.ge [sflag:s17], $0x3E80  }
0x5c: {  	[sflag:s17] =	ssyncset.done $0x0  }
0x5d: {  	[sflag:s17] =	ssyncadd.s32 $0xFFFFC180  }
0x5e: {  	[spmem:s2] =	stream.indirect.scatter.add.f32 [tilespmem:s20], [sflag:$0x4], $0x80, s25, s19, $0xb8;
	[tilespmem:$0x1E800] =	vst v63  }
0x5f: {  	_ =	swait.ge [sflag:s24], $0x3E80  }
0x60: {  	[sflag:s24] =	ssyncset.done $0x0  }
0x61: {  	[sflag:s24] =	ssyncadd.s32 $0xFFFFC180  }
0x62: {  	_ =	swait.ge [sflag:s18], $0x3E80  }
0x63: {  	[sflag:s18] =	ssyncset.done $0x0  }
0x64: {  	[sflag:s18] =	ssyncadd.s32 $0xFFFFC180  }
0x65: {  	[spmem:s2] =	stream.indirect.scatter.add.f32 [tilespmem:s22], [sflag:$0x4], $0x80, s26, s19, $0xb8;
	[tilespmem:$0x1E800] =	vst v63  }
0x66: {  	_ =	swait.ge [sflag:s24], $0x3E80  }
0x67: {  	[sflag:s24] =	ssyncset.done $0x0  }
0x68: {  	s29 =	simm.s32 $0x0;
	[sflag:s24] =	ssyncadd.s32 $0xFFFFC180  }
0x69: {  	[tilespmem:s29], [sflag:$0x4] =	stream.linear.gather [hbm4b:s11+s29], $0x1400, $0x38;
	[tilespmem:$0x1E800] =	vst v63  }
0x6a: {  	_ =	swait.ge [sflag:s24], $0x1400  }
0x6b: {  	[sflag:s24] =	ssyncset.done $0x0  }
0x6c: {  	[sflag:s24] =	ssyncadd.s32 $0xFFFFEC00  }
0x6d: {  	[tilespmem:s16], [sflag:$0x4] =	stream.linear.gather [hbm4b:s12+s29], $0x1400, $0x38;
	[tilespmem:$0x1E800] =	vst v63  }
0x6e: {  	_ =	swait.ge [sflag:s24], $0x1400  }
0x6f: {  	[sflag:s24] =	ssyncset.done $0x0  }
0x70: {  	[sflag:s24] =	ssyncadd.s32 $0xFFFFEC00  }
0x71: {  	[tilespmem:s20], [sflag:$0x1] =	stream.indirect.gather [hbm4b:s1+s19], $0x80, s29, s19, $0xb8;
	[tilespmem:$0x1E800] =	vst v63  }
0x72: {  	_ = 	snop  }
0x73: {  	[tilespmem:s22], [sflag:$0x2] =	stream.indirect.gather [hbm4b:s1+s19], $0x80, s21, s19, $0xb8;
	[tilespmem:$0x1E800] =	vst v63  }
0x74: {  	_ =	swait.ge [sflag:s17], $0x3E80  }
0x75: {  	[sflag:s17] =	ssyncset.done $0x0  }
0x76: {  	s29 =	simm.s32 $0x1400;
	[sflag:s17] =	ssyncadd.s32 $0xFFFFC180  }
0x77: {  	[spmem:s2] =	stream.indirect.scatter.add.f32 [tilespmem:s20], [sflag:$0x4], $0x80, s29, s19, $0xb8;
	[tilespmem:$0x1E800] =	vst v63  }
0x78: {  	_ =	swait.ge [sflag:s24], $0x3E80  }
0x79: {  	[sflag:s24] =	ssyncset.done $0x0  }
0x7a: {  	s29 =	simm.s32 $0x100;
	[sflag:s24] =	ssyncadd.s32 $0xFFFFC180  }
0x7b: {  	[tilespmem:s20], [sflag:$0x1] =	stream.indirect.gather [hbm4b:s1+s19], $0x80, s29, s19, $0xb8;
	[tilespmem:$0x1E800] =	vst v63  }
0x7c: {  	_ =	swait.ge [sflag:s18], $0x3E80  }
0x7d: {  	[sflag:s18] =	ssyncset.done $0x0  }
0x7e: {  	s29 =	simm.s32 $0x1480;
	[sflag:s18] =	ssyncadd.s32 $0xFFFFC180  }
0x7f: {  	[spmem:s2] =	stream.indirect.scatter.add.f32 [tilespmem:s22], [sflag:$0x4], $0x80, s29, s19, $0xb8;
	[tilespmem:$0x1E800] =	vst v63  }
0x80: {  	_ =	swait.ge [sflag:s24], $0x3E80  }
0x81: {  	[sflag:s24] =	ssyncset.done $0x0  }
0x82: {  	s30 =	simm.s32 $0x180;
	s29 =	simm.s32 $0x400;
	[sflag:s24] =	ssyncadd.s32 $0xFFFFC180  }
.LBB2_10:
0x83: {  	[tilespmem:s22], [sflag:$0x2] =	stream.indirect.gather [hbm4b:s1+s19], $0x80, s30, s19, $0xb8;
	[tilespmem:$0x1E800] =	vst v63  }
0x84: {  	s30 =	smov.u32 s29  }
0x85: {  	p1 =	sne.s32 s29, $0x4800;
	s29 =	sadd.s32 $0x400, s29;
	_ =	swait.ge [sflag:s17], $0x3E80  }
0x86: {  	s30 =	sshra.s32 s30, $0x2;
	[sflag:s17] =	ssyncset.done $0x0  }
0x87: {  	s31 =	sadd.s32 $0x1400, s30;
	[sflag:s17] =	ssyncadd.s32 $0xFFFFC180  }
0x88: {  	[spmem:s2] =	stream.indirect.scatter.add.f32 [tilespmem:s20], [sflag:$0x4], $0x80, s31, s19, $0xb8;
	[tilespmem:$0x1E800] =	vst v63  }
0x89: {  	_ =	swait.ge [sflag:s24], $0x3E80  }
0x8a: {  	[sflag:s24] =	ssyncset.done $0x0  }
0x8b: {  	s31 =	sadd.s32 $0x100, s30;
	[sflag:s24] =	ssyncadd.s32 $0xFFFFC180  }
0x8c: {  	[tilespmem:s20], [sflag:$0x1] =	stream.indirect.gather [hbm4b:s1+s19], $0x80, s31, s19, $0xb8;
	[tilespmem:$0x1E800] =	vst v63  }
0x8d: {  	_ =	swait.ge [sflag:s18], $0x3E80  }
0x8e: {  	[sflag:s18] =	ssyncset.done $0x0  }
.Ltmp4:
0x8f: {  	s31 =	sadd.s32 $0x1480, s30;
	[sflag:s18] =	ssyncadd.s32 $0xFFFFC180;
	(pc) =	sbr.rel @p1 .LBB2_10-.Ltmp4, $4  }
0x90: {  	[spmem:s2] =	stream.indirect.scatter.add.f32 [tilespmem:s22], [sflag:$0x4], $0x80, s31, s19, $0xb8;
	[tilespmem:$0x1E800] =	vst v63  }
0x91: {  	_ =	swait.ge [sflag:s24], $0x3E80  }
0x92: {  	[sflag:s24] =	ssyncset.done $0x0  }
0x93: {  	s30 =	sadd.s32 $0x180, s30;
	[sflag:s24] =	ssyncadd.s32 $0xFFFFC180  }
.Ltmp5:
0x94: {  	_ = 	snop;
	(pc) =	sbr.rel .LBB2_11-.Ltmp5, $1  }
0x95: {  	_ =	sdelay $0x3  }
.LBB2_2:
0x96: {  	[tilespmem:s20], [sflag:$0x1] =	stream.indirect.gather [hbm4b:s5+s19], $0x80, s29, s19, $0xb8;
	[tilespmem:$0x1E800] =	vst v63  }
0x97: {  	_ = 	snop  }
0x98: {  	[tilespmem:s22], [sflag:$0x2] =	stream.indirect.gather [hbm4b:s5+s19], $0x80, s21, s19, $0xb8;
	[tilespmem:$0x1E800] =	vst v63  }
0x99: {  	_ =	swait.ge [sflag:s23], $0x2800  }
0x9a: {  	[sflag:s23] =	ssyncset.done $0x0  }
0x9b: {  	[sflag:s23] =	ssyncadd.s32 $0xFFFFD800  }
0x9c: {  	[bflag:$0x0] =	sbarrier.arrive $0xFFFF  }
0x9d: {  	_ =	swait.ge [sflag:s17], $0x3E80  }
0x9e: {  	[sflag:s17] =	ssyncset.done $0x0  }
0x9f: {  	s29 =	simm.s32 $0x1400;
	[sflag:s17] =	ssyncadd.s32 $0xFFFFC180  }
0xa0: {  	[spmem:s2] =	stream.indirect.scatter.add.f32 [tilespmem:s20], [sflag:$0x4], $0x80, s29, s19, $0xb8;
	[tilespmem:$0x1E800] =	vst v63  }
0xa1: {  	_ =	swait.ge [sflag:s24], $0x3E80  }
0xa2: {  	[sflag:s24] =	ssyncset.done $0x0  }
0xa3: {  	s29 =	simm.s32 $0x100;
	[sflag:s24] =	ssyncadd.s32 $0xFFFFC180  }
0xa4: {  	[tilespmem:s20], [sflag:$0x1] =	stream.indirect.gather [hbm4b:s5+s19], $0x80, s29, s19, $0xb8;
	[tilespmem:$0x1E800] =	vst v63  }
0xa5: {  	_ =	swait.ge [sflag:s18], $0x3E80  }
0xa6: {  	[sflag:s18] =	ssyncset.done $0x0  }
0xa7: {  	s29 =	simm.s32 $0x1480;
	[sflag:s18] =	ssyncadd.s32 $0xFFFFC180  }
0xa8: {  	[spmem:s2] =	stream.indirect.scatter.add.f32 [tilespmem:s22], [sflag:$0x4], $0x80, s29, s19, $0xb8;
	[tilespmem:$0x1E800] =	vst v63  }
0xa9: {  	_ =	swait.ge [sflag:s24], $0x3E80  }
0xaa: {  	[sflag:s24] =	ssyncset.done $0x0  }
0xab: {  	s30 =	simm.s32 $0x180;
	s29 =	simm.s32 $0x400;
	[sflag:s24] =	ssyncadd.s32 $0xFFFFC180  }
.LBB2_3:
0xac: {  	[tilespmem:s22], [sflag:$0x2] =	stream.indirect.gather [hbm4b:s5+s19], $0x80, s30, s19, $0xb8;
	[tilespmem:$0x1E800] =	vst v63  }
0xad: {  	s30 =	smov.u32 s29  }
0xae: {  	p1 =	sne.s32 s29, $0x4800;
	s29 =	sadd.s32 $0x400, s29;
	_ =	swait.ge [sflag:s17], $0x3E80  }
0xaf: {  	s30 =	sshra.s32 s30, $0x2;
	[sflag:s17] =	ssyncset.done $0x0  }
0xb0: {  	s31 =	sadd.s32 $0x1400, s30;
	[sflag:s17] =	ssyncadd.s32 $0xFFFFC180  }
0xb1: {  	[spmem:s2] =	stream.indirect.scatter.add.f32 [tilespmem:s20], [sflag:$0x4], $0x80, s31, s19, $0xb8;
	[tilespmem:$0x1E800] =	vst v63  }
0xb2: {  	_ =	swait.ge [sflag:s24], $0x3E80  }
0xb3: {  	[sflag:s24] =	ssyncset.done $0x0  }
0xb4: {  	s31 =	sadd.s32 $0x100, s30;
	[sflag:s24] =	ssyncadd.s32 $0xFFFFC180  }
0xb5: {  	[tilespmem:s20], [sflag:$0x1] =	stream.indirect.gather [hbm4b:s5+s19], $0x80, s31, s19, $0xb8;
	[tilespmem:$0x1E800] =	vst v63  }
0xb6: {  	_ =	swait.ge [sflag:s18], $0x3E80  }
0xb7: {  	[sflag:s18] =	ssyncset.done $0x0  }
.Ltmp6:
0xb8: {  	s31 =	sadd.s32 $0x1480, s30;
	[sflag:s18] =	ssyncadd.s32 $0xFFFFC180;
	(pc) =	sbr.rel @p1 .LBB2_3-.Ltmp6, $4  }
0xb9: {  	[spmem:s2] =	stream.indirect.scatter.add.f32 [tilespmem:s22], [sflag:$0x4], $0x80, s31, s19, $0xb8;
	[tilespmem:$0x1E800] =	vst v63  }
0xba: {  	_ =	swait.ge [sflag:s24], $0x3E80  }
0xbb: {  	[sflag:s24] =	ssyncset.done $0x0  }
0xbc: {  	s30 =	sadd.s32 $0x180, s30;
	[sflag:s24] =	ssyncadd.s32 $0xFFFFC180  }
0xbd: {  	[tilespmem:s22], [sflag:$0x2] =	stream.indirect.gather [hbm4b:s5+s19], $0x80, s30, s19, $0xb8;
	[tilespmem:$0x1E800] =	vst v63  }
0xbe: {  	_ =	swait.ge [sflag:s17], $0x3E80  }
0xbf: {  	[sflag:s17] =	ssyncset.done $0x0  }
0xc0: {  	[sflag:s17] =	ssyncadd.s32 $0xFFFFC180  }
0xc1: {  	[spmem:s2] =	stream.indirect.scatter.add.f32 [tilespmem:s20], [sflag:$0x4], $0x80, s25, s19, $0xb8;
	[tilespmem:$0x1E800] =	vst v63  }
0xc2: {  	_ =	swait.ge [sflag:s24], $0x3E80  }
0xc3: {  	[sflag:s24] =	ssyncset.done $0x0  }
0xc4: {  	[sflag:s24] =	ssyncadd.s32 $0xFFFFC180  }
0xc5: {  	_ =	swait.ge [sflag:s18], $0x3E80  }
0xc6: {  	[sflag:s18] =	ssyncset.done $0x0  }
0xc7: {  	[sflag:s18] =	ssyncadd.s32 $0xFFFFC180  }
0xc8: {  	[spmem:s2] =	stream.indirect.scatter.add.f32 [tilespmem:s22], [sflag:$0x4], $0x80, s26, s19, $0xb8;
	[tilespmem:$0x1E800] =	vst v63  }
0xc9: {  	_ =	swait.ge [sflag:s24], $0x3E80  }
0xca: {  	[sflag:s24] =	ssyncset.done $0x0  }
0xcb: {  	s29 =	simm.s32 $0x0;
	[sflag:s24] =	ssyncadd.s32 $0xFFFFC180  }
0xcc: {  	[tilespmem:s29], [sflag:$0x4] =	stream.linear.gather [hbm4b:s11+s29], $0x1400, $0x38;
	[tilespmem:$0x1E800] =	vst v63  }
0xcd: {  	_ =	swait.ge [sflag:s24], $0x1400  }
0xce: {  	[sflag:s24] =	ssyncset.done $0x0  }
0xcf: {  	[sflag:s24] =	ssyncadd.s32 $0xFFFFEC00  }
0xd0: {  	[tilespmem:s16], [sflag:$0x4] =	stream.linear.gather [hbm4b:s12+s29], $0x1400, $0x38;
	[tilespmem:$0x1E800] =	vst v63  }
0xd1: {  	_ =	swait.ge [sflag:s24], $0x1400  }
0xd2: {  	[sflag:s24] =	ssyncset.done $0x0  }
0xd3: {  	[sflag:s24] =	ssyncadd.s32 $0xFFFFEC00  }
0xd4: {  	[tilespmem:s20], [sflag:$0x1] =	stream.indirect.gather [hbm4b:s5+s19], $0x80, s29, s19, $0xb8;
	[tilespmem:$0x1E800] =	vst v63  }
0xd5: {  	_ = 	snop  }
0xd6: {  	[tilespmem:s22], [sflag:$0x2] =	stream.indirect.gather [hbm4b:s5+s19], $0x80, s21, s19, $0xb8;
	[tilespmem:$0x1E800] =	vst v63  }
0xd7: {  	_ =	swait.ge [sflag:s17], $0x3E80  }
0xd8: {  	[sflag:s17] =	ssyncset.done $0x0  }
0xd9: {  	s29 =	simm.s32 $0x1400;
	[sflag:s17] =	ssyncadd.s32 $0xFFFFC180  }
0xda: {  	[spmem:s2] =	stream.indirect.scatter.add.f32 [tilespmem:s20], [sflag:$0x4], $0x80, s29, s19, $0xb8;
	[tilespmem:$0x1E800] =	vst v63  }
0xdb: {  	_ =	swait.ge [sflag:s24], $0x3E80  }
0xdc: {  	[sflag:s24] =	ssyncset.done $0x0  }
0xdd: {  	s29 =	simm.s32 $0x100;
	[sflag:s24] =	ssyncadd.s32 $0xFFFFC180  }
0xde: {  	[tilespmem:s20], [sflag:$0x1] =	stream.indirect.gather [hbm4b:s5+s19], $0x80, s29, s19, $0xb8;
	[tilespmem:$0x1E800] =	vst v63  }
0xdf: {  	_ =	swait.ge [sflag:s18], $0x3E80  }
0xe0: {  	[sflag:s18] =	ssyncset.done $0x0  }
0xe1: {  	s29 =	simm.s32 $0x1480;
	[sflag:s18] =	ssyncadd.s32 $0xFFFFC180  }
0xe2: {  	[spmem:s2] =	stream.indirect.scatter.add.f32 [tilespmem:s22], [sflag:$0x4], $0x80, s29, s19, $0xb8;
	[tilespmem:$0x1E800] =	vst v63  }
0xe3: {  	_ =	swait.ge [sflag:s24], $0x3E80  }
0xe4: {  	[sflag:s24] =	ssyncset.done $0x0  }
0xe5: {  	s30 =	simm.s32 $0x180;
	s29 =	simm.s32 $0x400;
	[sflag:s24] =	ssyncadd.s32 $0xFFFFC180  }
.LBB2_5:
0xe6: {  	[tilespmem:s22], [sflag:$0x2] =	stream.indirect.gather [hbm4b:s5+s19], $0x80, s30, s19, $0xb8;
	[tilespmem:$0x1E800] =	vst v63  }
0xe7: {  	s30 =	smov.u32 s29  }
0xe8: {  	p1 =	seq.s32 s29, $0x4800;
	s29 =	sadd.s32 $0x400, s29;
	_ =	swait.ge [sflag:s17], $0x3E80  }
0xe9: {  	s30 =	sshra.s32 s30, $0x2;
	[sflag:s17] =	ssyncset.done $0x0  }
0xea: {  	s31 =	sadd.s32 $0x1400, s30;
	[sflag:s17] =	ssyncadd.s32 $0xFFFFC180  }
0xeb: {  	[spmem:s2] =	stream.indirect.scatter.add.f32 [tilespmem:s20], [sflag:$0x4], $0x80, s31, s19, $0xb8;
	[tilespmem:$0x1E800] =	vst v63  }
0xec: {  	_ =	swait.ge [sflag:s24], $0x3E80  }
0xed: {  	[sflag:s24] =	ssyncset.done $0x0  }
0xee: {  	s31 =	sadd.s32 $0x100, s30;
	[sflag:s24] =	ssyncadd.s32 $0xFFFFC180  }
0xef: {  	[tilespmem:s20], [sflag:$0x1] =	stream.indirect.gather [hbm4b:s5+s19], $0x80, s31, s19, $0xb8;
	[tilespmem:$0x1E800] =	vst v63  }
0xf0: {  	_ =	swait.ge [sflag:s18], $0x3E80  }
0xf1: {  	[sflag:s18] =	ssyncset.done $0x0  }
.Ltmp7:
0xf2: {  	s31 =	sadd.s32 $0x1480, s30;
	[sflag:s18] =	ssyncadd.s32 $0xFFFFC180;
	(pc) =	sbr.rel @!p1 .LBB2_5-.Ltmp7, $4  }
0xf3: {  	[spmem:s2] =	stream.indirect.scatter.add.f32 [tilespmem:s22], [sflag:$0x4], $0x80, s31, s19, $0xb8;
	[tilespmem:$0x1E800] =	vst v63  }
0xf4: {  	_ =	swait.ge [sflag:s24], $0x3E80  }
0xf5: {  	[sflag:s24] =	ssyncset.done $0x0  }
0xf6: {  	s30 =	sadd.s32 $0x180, s30;
	[sflag:s24] =	ssyncadd.s32 $0xFFFFC180  }
0xf7: {  	[tilespmem:s22], [sflag:$0x2] =	stream.indirect.gather [hbm4b:s5+s19], $0x80, s30, s19, $0xb8;
	[tilespmem:$0x1E800] =	vst v63  }
0xf8: {  	_ =	swait.ge [sflag:s17], $0x3E80  }
0xf9: {  	[sflag:s17] =	ssyncset.done $0x0  }
0xfa: {  	[sflag:s17] =	ssyncadd.s32 $0xFFFFC180  }
0xfb: {  	[spmem:s2] =	stream.indirect.scatter.add.f32 [tilespmem:s20], [sflag:$0x4], $0x80, s25, s19, $0xb8;
	[tilespmem:$0x1E800] =	vst v63  }
0xfc: {  	_ =	swait.ge [sflag:s24], $0x3E80  }
0xfd: {  	[sflag:s24] =	ssyncset.done $0x0  }
.Ltmp8:
0xfe: {  	[sflag:s24] =	ssyncadd.s32 $0xFFFFC180;
	(pc) =	sbr.rel .LBB2_12-.Ltmp8, $4  }
0xff: {  	_ =	swait.ge [sflag:s18], $0x3E80  }
0x100: {  	[sflag:s18] =	ssyncset.done $0x0  }
0x101: {  	[sflag:s18] =	ssyncadd.s32 $0xFFFFC180  }
0x102: {  	[spmem:s2] =	stream.indirect.scatter.add.f32 [tilespmem:s22], [sflag:$0x4], $0x80, s26, s19, $0xb8;
	[tilespmem:$0x1E800] =	vst v63  }
.LBB2_13:
0x103: {  	_ =	sfence.sel $0x180000  }
0x104: {  	[bflag:$0x0] =	sbarrier.arrive $0xFFFF  }
0x105: {  	p0 =	sne.s32 s3, $0x0;
	_ =	strace $0x90000047  }
0x106: {  	s0 =	sadd.s32 @!p0 $0x100000, s0;
	[bflag:$0x2] =	sbarrier.arrive $0xFFFF  }
0x107: {  	[sflag:s0] =	ssyncadd.tile.s32 @!p0 $0x1;
	_ =	shalt  }
.Lfunc_end2:
_tile_overlayer_lowered:
.L_overlay_start_2:
0x108: {  	(tag) =	ssettag $0x2  }
0x109: {  	s0 =	rddreg [dreg:$0x0];
	s2 =	stileid.u32  }
0x10a: {  	s1 =	rddreg [dreg:$0x1];
	p0 =	sne.s32 s2, $0x0  }
0x10b: {  	s3 =	rddreg [dreg:$0x2];
	[bflag:$0x3] =	sbarrier.arrive $0xFFFF;
	s2 =	simm.s32 @!p0 $0x1C04  }
0x10c: {  	[timem:s3], [sflag:s2] =	dma.local @!p0 [hbm:s0], s1  }
0x10d: {  	s0 =	simm.s32 @!p0 $0x4  }
0x10e: {  	_ =	swait.ge @!p0 [sflag:s0], s1  }
0x10f: {  	s1 =	ssub.s32 @!p0 $0x0, s1;
	[sflag:s0] =	ssyncset.done @!p0 $0x0  }
0x110: {  	[sflag:s0] =	ssyncadd.s32 @!p0 s1  }
0x111: {  	[bflag:$0x3] =	sbarrier.arrive $0xFFFF  }
0x112: {  	_ =	shalt  }

</sc_bundles>
